<compile_context>
chip_gen: v7x
topology: tpu7x:2x2x1
jax: 0.10.2.dev20260603
libtpu: 0.0.44.dev20260713+nightly
codegen_flags: <defaults>
</compile_context>

<pallas_src>
import functools

import jax
import jax.numpy as jnp
from jax import lax
from jax.experimental import pallas as pl
from jax.experimental.pallas import tpu as pltpu
from jax.experimental.pallas import tpu_sc as plsc

_NC = 2
_NS = 16
_NW = _NC * _NS
_LANES = 128

_CUTOFF = 12.0
_INV_RESCALE = 1.0 / 16.0


def _sc_gather_call(an, idx3d, nch):
    mesh = plsc.VectorSubcoreMesh(core_axis_name="c", subcore_axis_name="s")

    @functools.partial(
        pl.kernel,
        out_type=jax.ShapeDtypeStruct((_NW, nch, _LANES), jnp.int32),
        mesh=mesh,
        scratch_types=[
            pltpu.VMEM((nch, _LANES), jnp.int32),
            pltpu.VMEM((nch, _LANES), jnp.int32),
            pltpu.SemaphoreType.DMA,
        ],
    )
    def sc_gather(an_hbm, idx_hbm, out_hbm, idx_v, rows_v, sem):
        wid = lax.axis_index("s") * _NC + lax.axis_index("c")
        pltpu.sync_copy(idx_hbm.at[wid], idx_v)

        depth = 4
        for jj in range(min(depth - 1, nch)):
            pltpu.async_copy(an_hbm.at[idx_v.at[jj]], rows_v.at[jj], sem)

        def chunk(j, carry):
            @pl.when(j + depth - 1 < nch)
            def _fire():
                pltpu.async_copy(an_hbm.at[idx_v.at[j + depth - 1]],
                                 rows_v.at[j + depth - 1], sem)

            pltpu.make_async_copy(an_hbm.at[idx_v.at[j]],
                                  rows_v.at[j], sem).wait()
            return carry

        lax.fori_loop(0, nch, chunk, 0)
        pltpu.sync_copy(rows_v, out_hbm.at[wid])

    return sc_gather(an, idx3d)


def _tc_body(edf_ref, wig_ref, r_ref, asrc_ref, atgt_ref,
             dst_ref, st_ref, tt_ref, W1_ref, b1_ref, g1_ref, be1_ref,
             W2_ref, b2_ref, g2_ref, be2_ref, W3_ref, b3_ref,
             out_ref,
             out8_s, out1_s, xeP_s, xe8_s, xe1_s, sem,
             *, nb, be, n_nodes):
    i = pl.program_id(0)

    @pl.when(i == 0)
    def _init():
        out8_s[...] = jnp.zeros_like(out8_s)
        out1_s[...] = jnp.zeros_like(out1_s)

    f32 = jnp.float32
    edf = edf_ref[...]
    asrc = asrc_ref[...]
    atgt = atgt_ref[...]

    iota90 = lax.broadcasted_iota(jnp.int32, (be, 90), 1)
    ohs = (iota90 == asrc).astype(f32)
    oht = (iota90 == atgt).astype(f32)
    se = jnp.dot(ohs, st_ref[...], preferred_element_type=f32)
    te = jnp.dot(oht, tt_ref[...], preferred_element_type=f32)

    W1 = W1_ref[...]
    h = (jnp.dot(edf, W1[0:128], preferred_element_type=f32)
         + jnp.dot(se, W1[128:192], preferred_element_type=f32)
         + jnp.dot(te, W1[192:256], preferred_element_type=f32)
         + b1_ref[...])

    def _ln(x, g, b):
        mu = jnp.mean(x, axis=-1, keepdims=True)
        var = jnp.mean((x - mu) * (x - mu), axis=-1, keepdims=True)
        return (x - mu) * lax.rsqrt(var + 1e-5) * g + b

    def _silu(x):
        return x / (1.0 + jnp.exp(-x))

    h = _silu(_ln(h, g1_ref[...], be1_ref[...]))
    h = jnp.dot(h, W2_ref[...], preferred_element_type=f32) + b2_ref[...]
    h = _silu(_ln(h, g2_ref[...], be2_ref[...]))

    W3 = W3_ref[...]
    b3 = b3_ref[...]
    x0 = [jnp.dot(h, W3[:, k * 128:(k + 1) * 128], preferred_element_type=f32)
          + b3[:, k * 128:(k + 1) * 128] for k in range(3)]

    r = r_ref[...]
    d = r * (1.0 / _CUTOFF)
    d2 = d * d
    d4 = d2 * d2
    d5 = d4 * d
    env = jnp.where(d < 1.0, 1.0 - 21.0 * d5 + 35.0 * d5 * d - 15.0 * d5 * d2,
                    0.0) * _INV_RESCALE

    wig = wig_ref[...]
    wc = [wig[:, 0:9] * env,
          wig[:, 18:27] * env,
          wig[:, 54:63] * env]

    bf16 = jnp.bfloat16
    lane_ii = lax.broadcasted_iota(jnp.int32, (9, 9 * 128), 1) // 128
    row_j = lax.broadcasted_iota(jnp.int32, (9, 9 * 128), 0)
    D = (lane_ii == row_j).astype(bf16)
    bc = [jnp.dot(wc[k].astype(bf16), D, preferred_element_type=f32)
          for k in range(3)]

    for ii in range(9):
        sl = slice(ii * 128, (ii + 1) * 128)
        plane = (bc[0][:, sl] * x0[0]
                 + bc[1][:, sl] * x0[1]
                 + bc[2][:, sl] * x0[2])
        if ii < 8:
            xeP_s[ii] = plane
        else:
            xe1_s[...] = plane

    cps = [pltpu.make_async_copy(xeP_s.at[ii], xe8_s.at[:, ii, :], sem)
           for ii in range(8)]
    for cp in cps:
        cp.start()
    for cp in cps:
        cp.wait()

    def body(e, carry):
        dst = dst_ref[0, 0, e]
        out8_s[dst] = out8_s[dst] + xe8_s[e]
        out1_s[dst] = out1_s[dst] + xe1_s[e]
        return carry

    lax.fori_loop(0, be, body, 0, unroll=8)

    @pl.when(i == nb - 1)
    def _emit():
        cp8 = pltpu.make_async_copy(out8_s, out_ref.at[:, 0:8, :], sem)
        cp8.start()
        cp8.wait()
        cp1 = pltpu.make_async_copy(out1_s, out_ref.at[:, 8, :], sem)
        cp1.start()
        cp1.wait()


def _tc_call(edf, wig, r2, asrc, atgt, dst3, st, tt, W1, b1, g1, be1, W2, b2,
             g2, be2, W3, b3, n_nodes, be):
    E = edf.shape[0]
    nb = E // be

    def full(a):
        return pl.BlockSpec(a.shape, lambda i: (0,) * a.ndim)

    in_specs = [
            pl.BlockSpec((be, 128), lambda i: (i, 0)),
            pl.BlockSpec((be, 81), lambda i: (i, 0)),
            pl.BlockSpec((be, 1), lambda i: (i, 0)),
            pl.BlockSpec((be, 1), lambda i: (i, 0)),
            pl.BlockSpec((be, 1), lambda i: (i, 0)),
            pl.BlockSpec((1, 1, be), lambda i: (i, 0, 0),
                         memory_space=pltpu.SMEM),
            full(st), full(tt), full(W1), full(b1), full(g1), full(be1),
            full(W2), full(b2), full(g2), full(be2), full(W3), full(b3),
    ]

    body = functools.partial(_tc_body, nb=nb, be=be, n_nodes=n_nodes)
    return pl.pallas_call(
        body,
        grid=(nb,),
        in_specs=in_specs,
        out_specs=pl.BlockSpec(memory_space=pltpu.HBM),
        out_shape=jax.ShapeDtypeStruct((n_nodes, 9, 128), jnp.float32),
        scratch_shapes=[
            pltpu.VMEM((n_nodes, 8, 128), jnp.float32),
            pltpu.VMEM((n_nodes, 128), jnp.float32),
            pltpu.VMEM((8, be, 128), jnp.float32),
            pltpu.VMEM((be, 8, 128), jnp.float32),
            pltpu.VMEM((be, 128), jnp.float32),
            pltpu.SemaphoreType.DMA,
        ],
        compiler_params=pltpu.CompilerParams(
            dimension_semantics=("arbitrary",),
            vmem_limit_bytes=110 * 1024 * 1024,
        ),
    )(edf, wig, r2, asrc, atgt, dst3, st, tt, W1, b1, g1, be1, W2,
      b2, g2, be2, W3, b3)


def kernel(r, atomic_numbers, edge_distance_embedding, edge_index, wigner,
           src_table, tgt_table, W1, b1, g1, beta1, W2, b2, g2, beta2, W3, b3):
    E = edge_distance_embedding.shape[0]
    N = atomic_numbers.shape[0]
    be = 800
    assert E % be == 0

    an = atomic_numbers.astype(jnp.int32)
    eidx = edge_index.astype(jnp.int32)

    flat = eidx.reshape(2 * E)
    per = (2 * E) // _NW
    nch = -(-per // _LANES)
    padded = jnp.pad(flat.reshape(_NW, per),
                     ((0, 0), (0, nch * _LANES - per)))
    g = _sc_gather_call(an, padded.reshape(_NW, nch, _LANES), nch)
    g = g.reshape(_NW, nch * _LANES)[:, :per].reshape(2, E)

    asrc = g[0].reshape(E, 1)
    atgt = g[1].reshape(E, 1)
    dst3 = eidx[1].reshape(E // be, 1, be)
    r2 = r.reshape(E, 1)

    out = _tc_call(edge_distance_embedding, wigner.reshape(E, 81), r2, asrc,
                   atgt, dst3,
                   src_table, tgt_table, W1, b1.reshape(1, 64),
                   g1.reshape(1, 64), beta1.reshape(1, 64), W2,
                   b2.reshape(1, 64), g2.reshape(1, 64), beta2.reshape(1, 64),
                   W3, b3.reshape(1, 384), N, be)
    return out

# --- scband reference (transcript-rebuilt; emitter-appended) ---
"""Pipeline reference for scband-edge-degree-embedding-82214263980367 (READ-ONLY COPY).

The authoritative reference and input builder live on the scoring server;
editing this copy changes nothing except your own understanding.
"""

import jax, jax.numpy as jnp
import numpy as np

LMAX = 2
MMAX = 2
C = 128
N = 10000
E = 160000
CUTOFF = 12.0
RESCALE = 16.0
HID = 64
NBASIS = 128


def _build_to_m(lmax, mmax):
    # l-order: for each l, m in [-min(l,mmax), min(l,mmax)]
    l_order = [(l, m) for l in range(lmax + 1) for m in range(-min(l, mmax), min(l, mmax) + 1)]
    # m-order: grouped by |m| (m=0 block first, which has lmax+1 coefficients)
    m_order = []
    for m in range(mmax + 1):
        for l in range(lmax + 1):
            if m <= min(l, mmax):
                m_order.append((l, m))
        if m > 0:
            for l in range(lmax + 1):
                if m <= min(l, mmax):
                    m_order.append((l, -m))
    n = len(l_order)
    tm = np.zeros((n, n), dtype=np.float32)
    for a, lm in enumerate(m_order):
        tm[a, l_order.index(lm)] = 1.0
    return tm

TO_M = _build_to_m(LMAX, MMAX)      # [9, 9] permutation matrix (m-order -> l-order)
M0 = LMAX + 1                        # m_size[0] = 3
NCOEF = (LMAX + 1) ** 2              # m_all_num_coefficents = 9 (mmax == lmax)
# out_mask: with mmax == lmax every coefficient is kept -> all-True mask of length 9


def _ln(x, g, b, eps=1e-5):
    mu = jnp.mean(x, axis=-1, keepdims=True)
    var = jnp.var(x, axis=-1, keepdims=True)
    return (x - mu) / jnp.sqrt(var + eps) * g + b


def setup_inputs(seed: int = 0):
    key = jax.random.key(seed)
    ks = jax.random.split(key, 12)
    in_ch = NBASIS + 2 * HID  # edge_channels_list[0] + 2 * edge_channels_list[-1]
    return {
        "r": jax.random.uniform(ks[0], (E,), dtype=jnp.float32) * CUTOFF,
        "atomic_numbers": jax.random.randint(ks[1], (N,), 0, 90),
        "edge_distance_embedding": jax.random.normal(ks[2], (E, NBASIS), dtype=jnp.float32),
        "edge_index": jax.random.randint(ks[3], (2, E), 0, N),
        "wigner": jax.random.normal(ks[4], (E, NCOEF, NCOEF), dtype=jnp.float32),
        "src_table": jax.random.uniform(ks[5], (90, HID), minval=-0.001, maxval=0.001, dtype=jnp.float32),
        "tgt_table": jax.random.uniform(ks[6], (90, HID), minval=-0.001, maxval=0.001, dtype=jnp.float32),
        "W1": jax.random.normal(ks[7], (in_ch, HID), dtype=jnp.float32) / np.sqrt(in_ch),
        "b1": jnp.zeros((HID,), jnp.float32),
        "g1": jnp.ones((HID,), jnp.float32),
        "beta1": jnp.zeros((HID,), jnp.float32),
        "W2": jax.random.normal(ks[8], (HID, HID), dtype=jnp.float32) / np.sqrt(HID),
        "b2": jnp.zeros((HID,), jnp.float32),
        "g2": jnp.ones((HID,), jnp.float32),
        "beta2": jnp.zeros((HID,), jnp.float32),
        "W3": jax.random.normal(ks[9], (HID, M0 * C), dtype=jnp.float32) / np.sqrt(HID),
        "b3": jnp.zeros((M0 * C,), jnp.float32),
    }


def reference(r, atomic_numbers, edge_distance_embedding, edge_index, wigner,
              src_table, tgt_table, W1, b1, g1, beta1, W2, b2, g2, beta2, W3, b3):
    src = atomic_numbers[edge_index[0]]
    tgt = atomic_numbers[edge_index[1]]
    se = jnp.take(src_table, src, axis=0)
    te = jnp.take(tgt_table, tgt, axis=0)
    x_edge = jnp.concatenate([edge_distance_embedding, se, te], axis=1)
    # RadialMLP: Linear -> LN -> SiLU -> Linear -> LN -> SiLU -> Linear
    h = jax.nn.silu(_ln(x_edge @ W1 + b1, g1, beta1))
    h = jax.nn.silu(_ln(h @ W2 + b2, g2, beta2))
    h = h @ W3 + b3
    x0 = h.reshape(-1, M0, C)
    pad = jnp.zeros((x0.shape[0], NCOEF - M0, C), dtype=x0.dtype)
    xe = jnp.concatenate([x0, pad], axis=1)
    xe = jnp.einsum('nac,ab->nbc', xe, jnp.asarray(TO_M))
    wigner_inv = jnp.transpose(wigner, (0, 2, 1))
    # out_mask is all-True (mmax == lmax), so bmm over the full wigner_inv
    xe = jnp.einsum('nij,njc->nic', wigner_inv, xe)
    d = r / CUTOFF
    env = jnp.where(d < 1.0, 1.0 - 21.0 * d**5 + 35.0 * d**6 - 15.0 * d**7, 0.0)  # PolynomialEnvelope p=5
    xe = xe * env[:, None, None]
    deg = jnp.zeros((atomic_numbers.shape[0], NCOEF, C), dtype=xe.dtype)
    deg = deg.at[edge_index[1]].add(xe)
    return deg / RESCALE

if __name__ == "__main__":
    import jax
    _d = setup_inputs()
    print(jax.jit(kernel)(*tuple(_d.values())))

</pallas_src>

<mosaic_0001>
#map = affine_map<(d0, d1) -> (0)>
#map1 = affine_map<(d0, d1) -> (0, 0, 0)>
module attributes {stable_mosaic.version = 14 : i64} {
  func.func @sc_gather(%arg0: i32, %arg1: i32, %arg2: memref<10000xi32, #tpu.memory_space<hbm>>, %arg3: memref<32x79x128xi32, #tpu.memory_space<hbm>>, %arg4: memref<32x79x128xi32, #tpu.memory_space<hbm>>, %arg5: memref<79x128xi32, #tpu.memory_space<vmem>>, %arg6: memref<79x128xi32, #tpu.memory_space<vmem>>, %arg7: memref<!tpu.dma_semaphore, #tpu.memory_space<semaphore_mem>>) attributes {dimension_semantics = [#tpu.dimension_semantics<core_parallel>, #tpu.dimension_semantics<subcore_parallel>], iteration_bounds = array<i64: 2, 16>, scalar_prefetch = 0 : i64, scratch_operands = 3 : i64, tpu.core_type = #tpu.core_type<sc_vector_subcore>, window_params = [{transform_indices = #map}, {transform_indices = #map1}, {transform_indices = #map1}]} {
    %mul3A = arith.constant 2 : i32
    %mul3A_0 = arith.muli %arg1, %mul3A : i32
    %add3A = arith.addi %mul3A_0, %arg0 : i32
    "tpu.region"() ({
      %run_scoped3A = tpu.sem_alloc : memref<!tpu.dma_semaphore, #tpu.memory_space<semaphore_mem>>
      %dma_start3A_35 = arith.constant 0 : i32
      %dma_start3A_36 = arith.constant 0 : i32
      %dma_start3A_37 = tpu.memref_slice %arg3[%add3A, %dma_start3A_35, %dma_start3A_36] : memref<32x79x128xi32, #tpu.memory_space<hbm>> -> memref<1x79x128xi32, #tpu.memory_space<hbm>>
      %dma_start3A_38 = tpu.memref_squeeze %dma_start3A_37 : memref<1x79x128xi32, #tpu.memory_space<hbm>> -> memref<79x128xi32, #tpu.memory_space<hbm>>
      %dma_start3A_39 = arith.constant 0 : i32
      %dma_start3A_40 = arith.constant 0 : i32
      %dma_start3A_41 = tpu.memref_slice %arg3[%add3A, %dma_start3A_39, %dma_start3A_40] : memref<32x79x128xi32, #tpu.memory_space<hbm>> -> memref<1x79x128xi32, #tpu.memory_space<hbm>>
      %dma_start3A_42 = tpu.memref_squeeze %dma_start3A_41 : memref<1x79x128xi32, #tpu.memory_space<hbm>> -> memref<79x128xi32, #tpu.memory_space<hbm>>
      tpu.enqueue_dma source(%dma_start3A_42 : memref<79x128xi32, #tpu.memory_space<hbm>>) target(%arg5 : memref<79x128xi32, #tpu.memory_space<vmem>>) target_semaphore(%run_scoped3A : memref<!tpu.dma_semaphore, #tpu.memory_space<semaphore_mem>>)
      %dma_wait3A = arith.constant 0 : i32
      %dma_wait3A_43 = arith.constant 0 : i32
      %dma_wait3A_44 = tpu.memref_slice %arg3[%add3A, %dma_wait3A, %dma_wait3A_43] : memref<32x79x128xi32, #tpu.memory_space<hbm>> -> memref<1x79x128xi32, #tpu.memory_space<hbm>>
      %dma_wait3A_45 = tpu.memref_squeeze %dma_wait3A_44 : memref<1x79x128xi32, #tpu.memory_space<hbm>> -> memref<79x128xi32, #tpu.memory_space<hbm>>
      %dma_wait3A_46 = arith.constant 0 : i32
      %dma_wait3A_47 = arith.constant 0 : i32
      %dma_wait3A_48 = tpu.memref_slice %arg3[%add3A, %dma_wait3A_46, %dma_wait3A_47] : memref<32x79x128xi32, #tpu.memory_space<hbm>> -> memref<1x79x128xi32, #tpu.memory_space<hbm>>
      %dma_wait3A_49 = tpu.memref_squeeze %dma_wait3A_48 : memref<1x79x128xi32, #tpu.memory_space<hbm>> -> memref<79x128xi32, #tpu.memory_space<hbm>>
      tpu.wait_dma2 semaphore(%run_scoped3A : memref<!tpu.dma_semaphore, #tpu.memory_space<semaphore_mem>>) src(%dma_wait3A_49 : memref<79x128xi32, #tpu.memory_space<hbm>>) dst(%arg5 : memref<79x128xi32, #tpu.memory_space<vmem>>)
      tpu.yield
    }) : () -> ()
    %dma_start3A = arith.constant 0 : i32
    %dma_start3A_1 = arith.constant 0 : i32
    %dma_start3A_2 = arith.constant 0 : i32
    %dma_start3A_3 = tpu.memref_slice %arg6[%dma_start3A_1, %dma_start3A_2] : memref<79x128xi32, #tpu.memory_space<vmem>> -> memref<1x128xi32, #tpu.memory_space<vmem>>
    %dma_start3A_4 = tpu.memref_squeeze %dma_start3A_3 : memref<1x128xi32, #tpu.memory_space<vmem>> -> memref<128xi32, #tpu.memory_space<vmem>>
    %dma_start3A_5 = arith.constant 0 : i32
    %dma_start3A_6 = tpu.memref_slice %arg5[%dma_start3A, %dma_start3A_5] : memref<79x128xi32, #tpu.memory_space<vmem>> -> memref<1x128xi32, #tpu.memory_space<vmem>>
    %dma_start3A_7 = tpu.memref_squeeze %dma_start3A_6 : memref<1x128xi32, #tpu.memory_space<vmem>> -> memref<128xi32, #tpu.memory_space<vmem>>
    %dma_start3A_8 = arith.constant 0 : i32
    %dma_start3A_9 = tpu.memref_slice %arg2[%dma_start3A_8] : memref<10000xi32, #tpu.memory_space<hbm>> -> memref<10000xi32, #tpu.memory_space<hbm>>
    tpu.enqueue_indirect_dma source(%dma_start3A_9 : memref<10000xi32, #tpu.memory_space<hbm>>) target(%dma_start3A_4 : memref<128xi32, #tpu.memory_space<vmem>>) offsets(%dma_start3A_7 : memref<128xi32, #tpu.memory_space<vmem>>) semaphore(%arg7 : memref<!tpu.dma_semaphore, #tpu.memory_space<semaphore_mem>>)
    %dma_start3A_10 = arith.constant 1 : i32
    %dma_start3A_11 = arith.constant 1 : i32
    %dma_start3A_12 = arith.constant 0 : i32
    %dma_start3A_13 = tpu.memref_slice %arg6[%dma_start3A_11, %dma_start3A_12] : memref<79x128xi32, #tpu.memory_space<vmem>> -> memref<1x128xi32, #tpu.memory_space<vmem>>
    %dma_start3A_14 = tpu.memref_squeeze %dma_start3A_13 : memref<1x128xi32, #tpu.memory_space<vmem>> -> memref<128xi32, #tpu.memory_space<vmem>>
    %dma_start3A_15 = arith.constant 0 : i32
    %dma_start3A_16 = tpu.memref_slice %arg5[%dma_start3A_10, %dma_start3A_15] : memref<79x128xi32, #tpu.memory_space<vmem>> -> memref<1x128xi32, #tpu.memory_space<vmem>>
    %dma_start3A_17 = tpu.memref_squeeze %dma_start3A_16 : memref<1x128xi32, #tpu.memory_space<vmem>> -> memref<128xi32, #tpu.memory_space<vmem>>
    %dma_start3A_18 = arith.constant 0 : i32
    %dma_start3A_19 = tpu.memref_slice %arg2[%dma_start3A_18] : memref<10000xi32, #tpu.memory_space<hbm>> -> memref<10000xi32, #tpu.memory_space<hbm>>
    tpu.enqueue_indirect_dma source(%dma_start3A_19 : memref<10000xi32, #tpu.memory_space<hbm>>) target(%dma_start3A_14 : memref<128xi32, #tpu.memory_space<vmem>>) offsets(%dma_start3A_17 : memref<128xi32, #tpu.memory_space<vmem>>) semaphore(%arg7 : memref<!tpu.dma_semaphore, #tpu.memory_space<semaphore_mem>>)
    %dma_start3A_20 = arith.constant 2 : i32
    %dma_start3A_21 = arith.constant 2 : i32
    %dma_start3A_22 = arith.constant 0 : i32
    %dma_start3A_23 = tpu.memref_slice %arg6[%dma_start3A_21, %dma_start3A_22] : memref<79x128xi32, #tpu.memory_space<vmem>> -> memref<1x128xi32, #tpu.memory_space<vmem>>
    %dma_start3A_24 = tpu.memref_squeeze %dma_start3A_23 : memref<1x128xi32, #tpu.memory_space<vmem>> -> memref<128xi32, #tpu.memory_space<vmem>>
    %dma_start3A_25 = arith.constant 0 : i32
    %dma_start3A_26 = tpu.memref_slice %arg5[%dma_start3A_20, %dma_start3A_25] : memref<79x128xi32, #tpu.memory_space<vmem>> -> memref<1x128xi32, #tpu.memory_space<vmem>>
    %dma_start3A_27 = tpu.memref_squeeze %dma_start3A_26 : memref<1x128xi32, #tpu.memory_space<vmem>> -> memref<128xi32, #tpu.memory_space<vmem>>
    %dma_start3A_28 = arith.constant 0 : i32
    %dma_start3A_29 = tpu.memref_slice %arg2[%dma_start3A_28] : memref<10000xi32, #tpu.memory_space<hbm>> -> memref<10000xi32, #tpu.memory_space<hbm>>
    tpu.enqueue_indirect_dma source(%dma_start3A_29 : memref<10000xi32, #tpu.memory_space<hbm>>) target(%dma_start3A_24 : memref<128xi32, #tpu.memory_space<vmem>>) offsets(%dma_start3A_27 : memref<128xi32, #tpu.memory_space<vmem>>) semaphore(%arg7 : memref<!tpu.dma_semaphore, #tpu.memory_space<semaphore_mem>>)
    %scan3A = arith.constant 0 : i32
    %scan3A_30 = arith.constant 0 : i32
    %scan3A_31 = arith.constant 79 : i32
    %scan3A_32 = arith.addi %scan3A_30, %scan3A_31 : i32
    %scan3A_33 = arith.constant 1 : i32
    scf.for %scan3A_35 = %scan3A_30 to %scan3A_32 step %scan3A_33  : i32 {
      %add3A_36 = arith.constant 4 : i32
      %add3A_37 = arith.addi %scan3A_35, %add3A_36 : i32
      %sub3A = arith.constant 1 : i32
      %sub3A_38 = arith.subi %add3A_37, %sub3A : i32
      %lt3A = arith.constant 79 : i32
      %lt3A_39 = arith.cmpi slt, %sub3A_38, %lt3A : i32
      %convert_element_type3A = arith.extui %lt3A_39 : i1 to i32
      %cond3A = arith.constant 0 : i32
      %cond3A_40 = arith.cmpi ne, %convert_element_type3A, %cond3A : i32
      scf.if %cond3A_40 {
        %add3A_48 = arith.constant 4 : i32
        %add3A_49 = arith.addi %scan3A_35, %add3A_48 : i32
        %sub3A_50 = arith.constant 1 : i32
        %sub3A_51 = arith.subi %add3A_49, %sub3A_50 : i32
        %add3A_52 = arith.constant 4 : i32
        %add3A_53 = arith.addi %scan3A_35, %add3A_52 : i32
        %sub3A_54 = arith.constant 1 : i32
        %sub3A_55 = arith.subi %add3A_53, %sub3A_54 : i32
        %dma_start3A_56 = arith.constant 0 : i32
        %dma_start3A_57 = tpu.memref_slice %arg6[%sub3A_55, %dma_start3A_56] : memref<79x128xi32, #tpu.memory_space<vmem>> -> memref<1x128xi32, #tpu.memory_space<vmem>>
        %dma_start3A_58 = tpu.memref_squeeze %dma_start3A_57 : memref<1x128xi32, #tpu.memory_space<vmem>> -> memref<128xi32, #tpu.memory_space<vmem>>
        %dma_start3A_59 = arith.constant 0 : i32
        %dma_start3A_60 = tpu.memref_slice %arg5[%sub3A_51, %dma_start3A_59] : memref<79x128xi32, #tpu.memory_space<vmem>> -> memref<1x128xi32, #tpu.memory_space<vmem>>
        %dma_start3A_61 = tpu.memref_squeeze %dma_start3A_60 : memref<1x128xi32, #tpu.memory_space<vmem>> -> memref<128xi32, #tpu.memory_space<vmem>>
        %dma_start3A_62 = arith.constant 0 : i32
        %dma_start3A_63 = tpu.memref_slice %arg2[%dma_start3A_62] : memref<10000xi32, #tpu.memory_space<hbm>> -> memref<10000xi32, #tpu.memory_space<hbm>>
        tpu.enqueue_indirect_dma source(%dma_start3A_63 : memref<10000xi32, #tpu.memory_space<hbm>>) target(%dma_start3A_58 : memref<128xi32, #tpu.memory_space<vmem>>) offsets(%dma_start3A_61 : memref<128xi32, #tpu.memory_space<vmem>>) semaphore(%arg7 : memref<!tpu.dma_semaphore, #tpu.memory_space<semaphore_mem>>)
      } else {
      }
      %dma_wait3A = arith.constant 0 : i32
      %dma_wait3A_41 = tpu.memref_slice %arg6[%scan3A_35, %dma_wait3A] : memref<79x128xi32, #tpu.memory_space<vmem>> -> memref<1x128xi32, #tpu.memory_space<vmem>>
      %dma_wait3A_42 = tpu.memref_squeeze %dma_wait3A_41 : memref<1x128xi32, #tpu.memory_space<vmem>> -> memref<128xi32, #tpu.memory_space<vmem>>
      %dma_wait3A_43 = arith.constant 0 : i32
      %dma_wait3A_44 = tpu.memref_slice %arg5[%scan3A_35, %dma_wait3A_43] : memref<79x128xi32, #tpu.memory_space<vmem>> -> memref<1x128xi32, #tpu.memory_space<vmem>>
      %dma_wait3A_45 = tpu.memref_squeeze %dma_wait3A_44 : memref<1x128xi32, #tpu.memory_space<vmem>> -> memref<128xi32, #tpu.memory_space<vmem>>
      %dma_wait3A_46 = arith.constant 0 : i32
      %dma_wait3A_47 = tpu.memref_slice %arg2[%dma_wait3A_46] : memref<10000xi32, #tpu.memory_space<hbm>> -> memref<10000xi32, #tpu.memory_space<hbm>>
      tpu.wait_indirect_dma semaphore(%arg7 : memref<!tpu.dma_semaphore, #tpu.memory_space<semaphore_mem>>) src(%dma_wait3A_47 : memref<10000xi32, #tpu.memory_space<hbm>>) dst(%dma_wait3A_42 : memref<128xi32, #tpu.memory_space<vmem>>)
    }
    %scan3A_34 = arith.constant 79 : i32
    "tpu.region"() ({
      %run_scoped3A = tpu.sem_alloc : memref<!tpu.dma_semaphore, #tpu.memory_space<semaphore_mem>>
      %dma_start3A_35 = arith.constant 0 : i32
      %dma_start3A_36 = arith.constant 0 : i32
      %dma_start3A_37 = tpu.memref_slice %arg4[%add3A, %dma_start3A_35, %dma_start3A_36] : memref<32x79x128xi32, #tpu.memory_space<hbm>> -> memref<1x79x128xi32, #tpu.memory_space<hbm>>
      %dma_start3A_38 = tpu.memref_squeeze %dma_start3A_37 : memref<1x79x128xi32, #tpu.memory_space<hbm>> -> memref<79x128xi32, #tpu.memory_space<hbm>>
      %dma_start3A_39 = arith.constant 0 : i32
      %dma_start3A_40 = arith.constant 0 : i32
      %dma_start3A_41 = tpu.memref_slice %arg4[%add3A, %dma_start3A_39, %dma_start3A_40] : memref<32x79x128xi32, #tpu.memory_space<hbm>> -> memref<1x79x128xi32, #tpu.memory_space<hbm>>
      %dma_start3A_42 = tpu.memref_squeeze %dma_start3A_41 : memref<1x79x128xi32, #tpu.memory_space<hbm>> -> memref<79x128xi32, #tpu.memory_space<hbm>>
      tpu.enqueue_dma source(%arg6 : memref<79x128xi32, #tpu.memory_space<vmem>>) target(%dma_start3A_42 : memref<79x128xi32, #tpu.memory_space<hbm>>) target_semaphore(%run_scoped3A : memref<!tpu.dma_semaphore, #tpu.memory_space<semaphore_mem>>)
      %dma_wait3A = arith.constant 0 : i32
      %dma_wait3A_43 = arith.constant 0 : i32
      %dma_wait3A_44 = tpu.memref_slice %arg4[%add3A, %dma_wait3A, %dma_wait3A_43] : memref<32x79x128xi32, #tpu.memory_space<hbm>> -> memref<1x79x128xi32, #tpu.memory_space<hbm>>
      %dma_wait3A_45 = tpu.memref_squeeze %dma_wait3A_44 : memref<1x79x128xi32, #tpu.memory_space<hbm>> -> memref<79x128xi32, #tpu.memory_space<hbm>>
      %dma_wait3A_46 = arith.constant 0 : i32
      %dma_wait3A_47 = arith.constant 0 : i32
      %dma_wait3A_48 = tpu.memref_slice %arg4[%add3A, %dma_wait3A_46, %dma_wait3A_47] : memref<32x79x128xi32, #tpu.memory_space<hbm>> -> memref<1x79x128xi32, #tpu.memory_space<hbm>>
      %dma_wait3A_49 = tpu.memref_squeeze %dma_wait3A_48 : memref<1x79x128xi32, #tpu.memory_space<hbm>> -> memref<79x128xi32, #tpu.memory_space<hbm>>
      tpu.wait_dma2 semaphore(%run_scoped3A : memref<!tpu.dma_semaphore, #tpu.memory_space<semaphore_mem>>) src(%arg6 : memref<79x128xi32, #tpu.memory_space<vmem>>) dst(%dma_wait3A_49 : memref<79x128xi32, #tpu.memory_space<hbm>>)
      tpu.yield
    }) : () -> ()
    return
  }
}

module attributes {stable_mosaic.version = 14 : i64} {
  func.func @_tc_body(%arg0: i32, %arg1: memref<800x128xf32, #tpu.memory_space<vmem>>, %arg2: memref<800x81xf32, #tpu.memory_space<vmem>>, %arg3: memref<800x1xf32, #tpu.memory_space<vmem>>, %arg4: memref<800x1xi32, #tpu.memory_space<vmem>>, %arg5: memref<800x1xi32, #tpu.memory_space<vmem>>, %arg6: memref<1x1x800xi32, #tpu.memory_space<smem>>, %arg7: memref<90x64xf32, #tpu.memory_space<vmem>>, %arg8: memref<90x64xf32, #tpu.memory_space<vmem>>, %arg9: memref<256x64xf32, #tpu.memory_space<vmem>>, %arg10: memref<1x64xf32, #tpu.memory_space<vmem>>, %arg11: memref<1x64xf32, #tpu.memory_space<vmem>>, %arg12: memref<1x64xf32, #tpu.memory_space<vmem>>, %arg13: memref<64x64xf32, #tpu.memory_space<vmem>>, %arg14: memref<1x64xf32, #tpu.memory_space<vmem>>, %arg15: memref<1x64xf32, #tpu.memory_space<vmem>>, %arg16: memref<1x64xf32, #tpu.memory_space<vmem>>, %arg17: memref<64x384xf32, #tpu.memory_space<vmem>>, %arg18: memref<1x384xf32, #tpu.memory_space<vmem>>, %arg19: memref<10000x9x128xf32, #tpu.memory_space<hbm>>, %arg20: memref<10000x8x128xf32, #tpu.memory_space<vmem>>, %arg21: memref<10000x128xf32, #tpu.memory_space<vmem>>, %arg22: memref<8x800x128xf32, #tpu.memory_space<vmem>>, %arg23: memref<800x8x128xf32, #tpu.memory_space<vmem>>, %arg24: memref<800x128xf32, #tpu.memory_space<vmem>>, %arg25: memref<!tpu.dma_semaphore, #tpu.memory_space<semaphore_mem>>) attributes {dimension_semantics = [#tpu.dimension_semantics<arbitrary>], iteration_bounds = array<i64: 200>, scalar_prefetch = 0 : i64, scratch_operands = 6 : i64, tpu.core_type = #tpu.core_type<tc>, window_params = [{transform_indices = @transform_0, window_bounds = array<i64: 800, 128>}, {transform_indices = @transform_1, window_bounds = array<i64: 800, 81>}, {transform_indices = @transform_2, window_bounds = array<i64: 800, 1>}, {transform_indices = @transform_3, window_bounds = array<i64: 800, 1>}, {transform_indices = @transform_4, window_bounds = array<i64: 800, 1>}, {transform_indices = @transform_5, window_bounds = array<i64: 1, 1, 800>}, {pipeline_mode = #tpu.pipeline_mode<synchronous>, transform_indices = @transform_6, window_bounds = array<i64: 90, 64>}, {pipeline_mode = #tpu.pipeline_mode<synchronous>, transform_indices = @transform_7, window_bounds = array<i64: 90, 64>}, {pipeline_mode = #tpu.pipeline_mode<synchronous>, transform_indices = @transform_8, window_bounds = array<i64: 256, 64>}, {pipeline_mode = #tpu.pipeline_mode<synchronous>, transform_indices = @transform_9, window_bounds = array<i64: 1, 64>}, {pipeline_mode = #tpu.pipeline_mode<synchronous>, transform_indices = @transform_10, window_bounds = array<i64: 1, 64>}, {pipeline_mode = #tpu.pipeline_mode<synchronous>, transform_indices = @transform_11, window_bounds = array<i64: 1, 64>}, {pipeline_mode = #tpu.pipeline_mode<synchronous>, transform_indices = @transform_12, window_bounds = array<i64: 64, 64>}, {pipeline_mode = #tpu.pipeline_mode<synchronous>, transform_indices = @transform_13, window_bounds = array<i64: 1, 64>}, {pipeline_mode = #tpu.pipeline_mode<synchronous>, transform_indices = @transform_14, window_bounds = array<i64: 1, 64>}, {pipeline_mode = #tpu.pipeline_mode<synchronous>, transform_indices = @transform_15, window_bounds = array<i64: 1, 64>}, {pipeline_mode = #tpu.pipeline_mode<synchronous>, transform_indices = @transform_16, window_bounds = array<i64: 64, 384>}, {pipeline_mode = #tpu.pipeline_mode<synchronous>, transform_indices = @transform_17, window_bounds = array<i64: 1, 384>}, {}]} {
    %eq3A = arith.constant 0 : i32
    %eq3A_0 = arith.cmpi eq, %arg0, %eq3A : i32
    %convert_element_type3A = arith.extui %eq3A_0 : i1 to i32
    %cond3A = arith.constant 0 : i32
    %cond3A_1 = arith.cmpi ne, %convert_element_type3A, %cond3A : i32
    scf.if %cond3A_1 {
      %broadcast_in_dim3A_530 = arith.constant 0.000000e+00 : f32
      %broadcast_in_dim3A_531 = vector.broadcast %broadcast_in_dim3A_530 : f32 to vector<10000x8x128xf32>
      %swap3A_532 = arith.constant 0 : index
      %swap3A_533 = arith.constant 0 : index
      %swap3A_534 = arith.constant 0 : index
      %swap3A_535 = vector.load %arg20[%swap3A_532, %swap3A_533, %swap3A_534] : memref<10000x8x128xf32, #tpu.memory_space<vmem>>, vector<10000x8x128xf32>
      tpu.vector_store %arg20[%swap3A_532, %swap3A_533, %swap3A_534], %broadcast_in_dim3A_531 {strides = array<i32>} : memref<10000x8x128xf32, #tpu.memory_space<vmem>>, vector<10000x8x128xf32>,
      %broadcast_in_dim3A_536 = arith.constant 0.000000e+00 : f32
      %broadcast_in_dim3A_537 = vector.broadcast %broadcast_in_dim3A_536 : f32 to vector<10000x128xf32>
      %swap3A_538 = arith.constant 0 : index
      %swap3A_539 = arith.constant 0 : index
      %swap3A_540 = vector.load %arg21[%swap3A_538, %swap3A_539] : memref<10000x128xf32, #tpu.memory_space<vmem>>, vector<10000x128xf32>
      tpu.vector_store %arg21[%swap3A_538, %swap3A_539], %broadcast_in_dim3A_537 {strides = array<i32>} : memref<10000x128xf32, #tpu.memory_space<vmem>>, vector<10000x128xf32>,
    } else {
    }
    %get3A = arith.constant 0 : index
    %get3A_2 = arith.constant 0 : index
    %get3A_3 = vector.load %arg1[%get3A, %get3A_2] : memref<800x128xf32, #tpu.memory_space<vmem>>, vector<800x128xf32>
    %get3A_4 = arith.constant 0 : index
    %get3A_5 = arith.constant 0 : index
    %get3A_6 = vector.load %arg4[%get3A_4, %get3A_5] : memref<800x1xi32, #tpu.memory_space<vmem>>, vector<800x1xi32>
    %get3A_7 = arith.constant 0 : index
    %get3A_8 = arith.constant 0 : index
    %get3A_9 = vector.load %arg5[%get3A_7, %get3A_8] : memref<800x1xi32, #tpu.memory_space<vmem>>, vector<800x1xi32>
    %iota3A = tpu.iota {dimensions = array<i32: 1>} : vector<800x90xi32>
    %eq3A_10 = vector.broadcast %get3A_6 : vector<800x1xi32> to vector<800x90xi32>
    %eq3A_11 = arith.cmpi eq, %iota3A, %eq3A_10 : vector<800x90xi32>
    %convert_element_type3A_12 = arith.extui %eq3A_11 : vector<800x90xi1> to vector<800x90xi32>
    %convert_element_type3A_13 = arith.sitofp %convert_element_type3A_12 : vector<800x90xi32> to vector<800x90xf32>
    %eq3A_14 = vector.broadcast %get3A_9 : vector<800x1xi32> to vector<800x90xi32>
    %eq3A_15 = arith.cmpi eq, %iota3A, %eq3A_14 : vector<800x90xi32>
    %convert_element_type3A_16 = arith.extui %eq3A_15 : vector<800x90xi1> to vector<800x90xi32>
    %convert_element_type3A_17 = arith.sitofp %convert_element_type3A_16 : vector<800x90xi32> to vector<800x90xf32>
    %get3A_18 = arith.constant 0 : index
    %get3A_19 = arith.constant 0 : index
    %get3A_20 = vector.load %arg7[%get3A_18, %get3A_19] : memref<90x64xf32, #tpu.memory_space<vmem>>, vector<90x64xf32>
    %dot_general3A = arith.constant dense<0.000000e+00> : vector<800x64xf32>
    %dot_general3A_21 = tpu.matmul %convert_element_type3A_13, %get3A_20, %dot_general3A {dimension_numbers = #tpu.dot_dimension_numbers<[1], [0], [0], [1], [0, 0, 1, 1], [], []>, transpose_lhs_hint = false} : vector<800x90xf32>, vector<90x64xf32>, vector<800x64xf32> -> vector<800x64xf32>
    %get3A_22 = arith.constant 0 : index
    %get3A_23 = arith.constant 0 : index
    %get3A_24 = vector.load %arg8[%get3A_22, %get3A_23] : memref<90x64xf32, #tpu.memory_space<vmem>>, vector<90x64xf32>
    %dot_general3A_25 = arith.constant dense<0.000000e+00> : vector<800x64xf32>
    %dot_general3A_26 = tpu.matmul %convert_element_type3A_17, %get3A_24, %dot_general3A_25 {dimension_numbers = #tpu.dot_dimension_numbers<[1], [0], [0], [1], [0, 0, 1, 1], [], []>, transpose_lhs_hint = false} : vector<800x90xf32>, vector<90x64xf32>, vector<800x64xf32> -> vector<800x64xf32>
    %get3A_27 = arith.constant 0 : index
    %get3A_28 = arith.constant 0 : index
    %get3A_29 = vector.load %arg9[%get3A_27, %get3A_28] : memref<256x64xf32, #tpu.memory_space<vmem>>, vector<256x64xf32>
    %slice3A = vector.extract_strided_slice %get3A_29 {offsets = [0, 0], sizes = [128, 64], strides = [1, 1]} : vector<256x64xf32> to vector<128x64xf32>
    %dot_general3A_30 = arith.constant dense<0.000000e+00> : vector<800x64xf32>
    %dot_general3A_31 = tpu.matmul %get3A_3, %slice3A, %dot_general3A_30 {dimension_numbers = #tpu.dot_dimension_numbers<[1], [0], [0], [1], [0, 0, 1, 1], [], []>, transpose_lhs_hint = false} : vector<800x128xf32>, vector<128x64xf32>, vector<800x64xf32> -> vector<800x64xf32>
    %slice3A_32 = vector.extract_strided_slice %get3A_29 {offsets = [128, 0], sizes = [64, 64], strides = [1, 1]} : vector<256x64xf32> to vector<64x64xf32>
    %dot_general3A_33 = arith.constant dense<0.000000e+00> : vector<800x64xf32>
    %dot_general3A_34 = tpu.matmul %dot_general3A_21, %slice3A_32, %dot_general3A_33 {dimension_numbers = #tpu.dot_dimension_numbers<[1], [0], [0], [1], [0, 0, 1, 1], [], []>, transpose_lhs_hint = false} : vector<800x64xf32>, vector<64x64xf32>, vector<800x64xf32> -> vector<800x64xf32>
    %add3A = arith.addf %dot_general3A_31, %dot_general3A_34 : vector<800x64xf32>
    %slice3A_35 = vector.extract_strided_slice %get3A_29 {offsets = [192, 0], sizes = [64, 64], strides = [1, 1]} : vector<256x64xf32> to vector<64x64xf32>
    %dot_general3A_36 = arith.constant dense<0.000000e+00> : vector<800x64xf32>
    %dot_general3A_37 = tpu.matmul %dot_general3A_26, %slice3A_35, %dot_general3A_36 {dimension_numbers = #tpu.dot_dimension_numbers<[1], [0], [0], [1], [0, 0, 1, 1], [], []>, transpose_lhs_hint = false} : vector<800x64xf32>, vector<64x64xf32>, vector<800x64xf32> -> vector<800x64xf32>
    %add3A_38 = arith.addf %add3A, %dot_general3A_37 : vector<800x64xf32>
    %get3A_39 = arith.constant 0 : index
    %get3A_40 = arith.constant 0 : index
    %get3A_41 = vector.load %arg10[%get3A_39, %get3A_40] : memref<1x64xf32, #tpu.memory_space<vmem>>, vector<1x64xf32>
    %add3A_42 = vector.broadcast %get3A_41 : vector<1x64xf32> to vector<800x64xf32>
    %add3A_43 = arith.addf %add3A_38, %add3A_42 : vector<800x64xf32>
    %get3A_44 = arith.constant 0 : index
    %get3A_45 = arith.constant 0 : index
    %get3A_46 = vector.load %arg11[%get3A_44, %get3A_45] : memref<1x64xf32, #tpu.memory_space<vmem>>, vector<1x64xf32>
    %get3A_47 = arith.constant 0 : index
    %get3A_48 = arith.constant 0 : index
    %get3A_49 = vector.load %arg12[%get3A_47, %get3A_48] : memref<1x64xf32, #tpu.memory_space<vmem>>, vector<1x64xf32>
    %reduce_sum3A = arith.constant dense<0.000000e+00> : vector<800xf32>
    %reduce_sum3A_50 = vector.multi_reduction <add>, %add3A_43, %reduce_sum3A [1] : vector<800x64xf32> to vector<800xf32>
    %broadcast_in_dim3A = vector.shape_cast %reduce_sum3A_50 : vector<800xf32> to vector<800x1xf32>
    %div3A = arith.constant 6.400000e+01 : f32
    %div3A_51 = vector.broadcast %div3A : f32 to vector<800x1xf32>
    %div3A_52 = arith.divf %broadcast_in_dim3A, %div3A_51 : vector<800x1xf32>
    %sub3A = vector.broadcast %div3A_52 : vector<800x1xf32> to vector<800x64xf32>
    %sub3A_53 = arith.subf %add3A_43, %sub3A : vector<800x64xf32>
    %sub3A_54 = vector.broadcast %div3A_52 : vector<800x1xf32> to vector<800x64xf32>
    %sub3A_55 = arith.subf %add3A_43, %sub3A_54 : vector<800x64xf32>
    %mul3A = arith.mulf %sub3A_53, %sub3A_55 : vector<800x64xf32>
    %reduce_sum3A_56 = arith.constant dense<0.000000e+00> : vector<800xf32>
    %reduce_sum3A_57 = vector.multi_reduction <add>, %mul3A, %reduce_sum3A_56 [1] : vector<800x64xf32> to vector<800xf32>
    %broadcast_in_dim3A_58 = vector.shape_cast %reduce_sum3A_57 : vector<800xf32> to vector<800x1xf32>
    %div3A_59 = arith.constant 6.400000e+01 : f32
    %div3A_60 = vector.broadcast %div3A_59 : f32 to vector<800x1xf32>
    %div3A_61 = arith.divf %broadcast_in_dim3A_58, %div3A_60 : vector<800x1xf32>
    %sub3A_62 = vector.broadcast %div3A_52 : vector<800x1xf32> to vector<800x64xf32>
    %sub3A_63 = arith.subf %add3A_43, %sub3A_62 : vector<800x64xf32>
    %add3A_64 = arith.constant 9.99999974E-6 : f32
    %add3A_65 = vector.broadcast %add3A_64 : f32 to vector<800x1xf32>
    %add3A_66 = arith.addf %div3A_61, %add3A_65 : vector<800x1xf32>
    %rsqrt3A = math.rsqrt %add3A_66 : vector<800x1xf32>
    %mul3A_67 = vector.broadcast %rsqrt3A : vector<800x1xf32> to vector<800x64xf32>
    %mul3A_68 = arith.mulf %sub3A_63, %mul3A_67 : vector<800x64xf32>
    %mul3A_69 = vector.broadcast %get3A_46 : vector<1x64xf32> to vector<800x64xf32>
    %mul3A_70 = arith.mulf %mul3A_68, %mul3A_69 : vector<800x64xf32>
    %add3A_71 = vector.broadcast %get3A_49 : vector<1x64xf32> to vector<800x64xf32>
    %add3A_72 = arith.addf %mul3A_70, %add3A_71 : vector<800x64xf32>
    %neg3A = arith.constant 0.000000e+00 : f32
    %neg3A_73 = vector.broadcast %neg3A : f32 to vector<800x64xf32>
    %neg3A_74 = arith.subf %neg3A_73, %add3A_72 : vector<800x64xf32>
    %exp3A = math.exp %neg3A_74 : vector<800x64xf32>
    %add3A_75 = arith.constant 1.000000e+00 : f32
    %add3A_76 = vector.broadcast %add3A_75 : f32 to vector<800x64xf32>
    %add3A_77 = arith.addf %add3A_76, %exp3A : vector<800x64xf32>
    %div3A_78 = arith.divf %add3A_72, %add3A_77 : vector<800x64xf32>
    %get3A_79 = arith.constant 0 : index
    %get3A_80 = arith.constant 0 : index
    %get3A_81 = vector.load %arg13[%get3A_79, %get3A_80] : memref<64x64xf32, #tpu.memory_space<vmem>>, vector<64x64xf32>
    %dot_general3A_82 = arith.constant dense<0.000000e+00> : vector<800x64xf32>
    %dot_general3A_83 = tpu.matmul %div3A_78, %get3A_81, %dot_general3A_82 {dimension_numbers = #tpu.dot_dimension_numbers<[1], [0], [0], [1], [0, 0, 1, 1], [], []>, transpose_lhs_hint = false} : vector<800x64xf32>, vector<64x64xf32>, vector<800x64xf32> -> vector<800x64xf32>
    %get3A_84 = arith.constant 0 : index
    %get3A_85 = arith.constant 0 : index
    %get3A_86 = vector.load %arg14[%get3A_84, %get3A_85] : memref<1x64xf32, #tpu.memory_space<vmem>>, vector<1x64xf32>
    %add3A_87 = vector.broadcast %get3A_86 : vector<1x64xf32> to vector<800x64xf32>
    %add3A_88 = arith.addf %dot_general3A_83, %add3A_87 : vector<800x64xf32>
    %get3A_89 = arith.constant 0 : index
    %get3A_90 = arith.constant 0 : index
    %get3A_91 = vector.load %arg15[%get3A_89, %get3A_90] : memref<1x64xf32, #tpu.memory_space<vmem>>, vector<1x64xf32>
    %get3A_92 = arith.constant 0 : index
    %get3A_93 = arith.constant 0 : index
    %get3A_94 = vector.load %arg16[%get3A_92, %get3A_93] : memref<1x64xf32, #tpu.memory_space<vmem>>, vector<1x64xf32>
    %reduce_sum3A_95 = arith.constant dense<0.000000e+00> : vector<800xf32>
    %reduce_sum3A_96 = vector.multi_reduction <add>, %add3A_88, %reduce_sum3A_95 [1] : vector<800x64xf32> to vector<800xf32>
    %broadcast_in_dim3A_97 = vector.shape_cast %reduce_sum3A_96 : vector<800xf32> to vector<800x1xf32>
    %div3A_98 = arith.constant 6.400000e+01 : f32
    %div3A_99 = vector.broadcast %div3A_98 : f32 to vector<800x1xf32>
    %div3A_100 = arith.divf %broadcast_in_dim3A_97, %div3A_99 : vector<800x1xf32>
    %sub3A_101 = vector.broadcast %div3A_100 : vector<800x1xf32> to vector<800x64xf32>
    %sub3A_102 = arith.subf %add3A_88, %sub3A_101 : vector<800x64xf32>
    %sub3A_103 = vector.broadcast %div3A_100 : vector<800x1xf32> to vector<800x64xf32>
    %sub3A_104 = arith.subf %add3A_88, %sub3A_103 : vector<800x64xf32>
    %mul3A_105 = arith.mulf %sub3A_102, %sub3A_104 : vector<800x64xf32>
    %reduce_sum3A_106 = arith.constant dense<0.000000e+00> : vector<800xf32>
    %reduce_sum3A_107 = vector.multi_reduction <add>, %mul3A_105, %reduce_sum3A_106 [1] : vector<800x64xf32> to vector<800xf32>
    %broadcast_in_dim3A_108 = vector.shape_cast %reduce_sum3A_107 : vector<800xf32> to vector<800x1xf32>
    %div3A_109 = arith.constant 6.400000e+01 : f32
    %div3A_110 = vector.broadcast %div3A_109 : f32 to vector<800x1xf32>
    %div3A_111 = arith.divf %broadcast_in_dim3A_108, %div3A_110 : vector<800x1xf32>
    %sub3A_112 = vector.broadcast %div3A_100 : vector<800x1xf32> to vector<800x64xf32>
    %sub3A_113 = arith.subf %add3A_88, %sub3A_112 : vector<800x64xf32>
    %add3A_114 = arith.constant 9.99999974E-6 : f32
    %add3A_115 = vector.broadcast %add3A_114 : f32 to vector<800x1xf32>
    %add3A_116 = arith.addf %div3A_111, %add3A_115 : vector<800x1xf32>
    %rsqrt3A_117 = math.rsqrt %add3A_116 : vector<800x1xf32>
    %mul3A_118 = vector.broadcast %rsqrt3A_117 : vector<800x1xf32> to vector<800x64xf32>
    %mul3A_119 = arith.mulf %sub3A_113, %mul3A_118 : vector<800x64xf32>
    %mul3A_120 = vector.broadcast %get3A_91 : vector<1x64xf32> to vector<800x64xf32>
    %mul3A_121 = arith.mulf %mul3A_119, %mul3A_120 : vector<800x64xf32>
    %add3A_122 = vector.broadcast %get3A_94 : vector<1x64xf32> to vector<800x64xf32>
    %add3A_123 = arith.addf %mul3A_121, %add3A_122 : vector<800x64xf32>
    %neg3A_124 = arith.constant 0.000000e+00 : f32
    %neg3A_125 = vector.broadcast %neg3A_124 : f32 to vector<800x64xf32>
    %neg3A_126 = arith.subf %neg3A_125, %add3A_123 : vector<800x64xf32>
    %exp3A_127 = math.exp %neg3A_126 : vector<800x64xf32>
    %add3A_128 = arith.constant 1.000000e+00 : f32
    %add3A_129 = vector.broadcast %add3A_128 : f32 to vector<800x64xf32>
    %add3A_130 = arith.addf %add3A_129, %exp3A_127 : vector<800x64xf32>
    %div3A_131 = arith.divf %add3A_123, %add3A_130 : vector<800x64xf32>
    %get3A_132 = arith.constant 0 : index
    %get3A_133 = arith.constant 0 : index
    %get3A_134 = vector.load %arg17[%get3A_132, %get3A_133] : memref<64x384xf32, #tpu.memory_space<vmem>>, vector<64x384xf32>
    %get3A_135 = arith.constant 0 : index
    %get3A_136 = arith.constant 0 : index
    %get3A_137 = vector.load %arg18[%get3A_135, %get3A_136] : memref<1x384xf32, #tpu.memory_space<vmem>>, vector<1x384xf32>
    %slice3A_138 = vector.extract_strided_slice %get3A_134 {offsets = [0, 0], sizes = [64, 128], strides = [1, 1]} : vector<64x384xf32> to vector<64x128xf32>
    %dot_general3A_139 = arith.constant dense<0.000000e+00> : vector<800x128xf32>
    %dot_general3A_140 = tpu.matmul %div3A_131, %slice3A_138, %dot_general3A_139 {dimension_numbers = #tpu.dot_dimension_numbers<[1], [0], [0], [1], [0, 0, 1, 1], [], []>, transpose_lhs_hint = false} : vector<800x64xf32>, vector<64x128xf32>, vector<800x128xf32> -> vector<800x128xf32>
    %slice3A_141 = vector.extract_strided_slice %get3A_137 {offsets = [0, 0], sizes = [1, 128], strides = [1, 1]} : vector<1x384xf32> to vector<1x128xf32>
    %add3A_142 = vector.broadcast %slice3A_141 : vector<1x128xf32> to vector<800x128xf32>
    %add3A_143 = arith.addf %dot_general3A_140, %add3A_142 : vector<800x128xf32>
    %slice3A_144 = vector.extract_strided_slice %get3A_134 {offsets = [0, 128], sizes = [64, 128], strides = [1, 1]} : vector<64x384xf32> to vector<64x128xf32>
    %dot_general3A_145 = arith.constant dense<0.000000e+00> : vector<800x128xf32>
    %dot_general3A_146 = tpu.matmul %div3A_131, %slice3A_144, %dot_general3A_145 {dimension_numbers = #tpu.dot_dimension_numbers<[1], [0], [0], [1], [0, 0, 1, 1], [], []>, transpose_lhs_hint = false} : vector<800x64xf32>, vector<64x128xf32>, vector<800x128xf32> -> vector<800x128xf32>
    %slice3A_147 = vector.extract_strided_slice %get3A_137 {offsets = [0, 128], sizes = [1, 128], strides = [1, 1]} : vector<1x384xf32> to vector<1x128xf32>
    %add3A_148 = vector.broadcast %slice3A_147 : vector<1x128xf32> to vector<800x128xf32>
    %add3A_149 = arith.addf %dot_general3A_146, %add3A_148 : vector<800x128xf32>
    %slice3A_150 = vector.extract_strided_slice %get3A_134 {offsets = [0, 256], sizes = [64, 128], strides = [1, 1]} : vector<64x384xf32> to vector<64x128xf32>
    %dot_general3A_151 = arith.constant dense<0.000000e+00> : vector<800x128xf32>
    %dot_general3A_152 = tpu.matmul %div3A_131, %slice3A_150, %dot_general3A_151 {dimension_numbers = #tpu.dot_dimension_numbers<[1], [0], [0], [1], [0, 0, 1, 1], [], []>, transpose_lhs_hint = false} : vector<800x64xf32>, vector<64x128xf32>, vector<800x128xf32> -> vector<800x128xf32>
    %slice3A_153 = vector.extract_strided_slice %get3A_137 {offsets = [0, 256], sizes = [1, 128], strides = [1, 1]} : vector<1x384xf32> to vector<1x128xf32>
    %add3A_154 = vector.broadcast %slice3A_153 : vector<1x128xf32> to vector<800x128xf32>
    %add3A_155 = arith.addf %dot_general3A_152, %add3A_154 : vector<800x128xf32>
    %get3A_156 = arith.constant 0 : index
    %get3A_157 = arith.constant 0 : index
    %get3A_158 = vector.load %arg3[%get3A_156, %get3A_157] : memref<800x1xf32, #tpu.memory_space<vmem>>, vector<800x1xf32>
    %mul3A_159 = arith.constant 0.0833333358 : f32
    %mul3A_160 = vector.broadcast %mul3A_159 : f32 to vector<800x1xf32>
    %mul3A_161 = arith.mulf %get3A_158, %mul3A_160 : vector<800x1xf32>
    %mul3A_162 = arith.mulf %mul3A_161, %mul3A_161 : vector<800x1xf32>
    %mul3A_163 = arith.mulf %mul3A_162, %mul3A_162 : vector<800x1xf32>
    %mul3A_164 = arith.mulf %mul3A_163, %mul3A_161 : vector<800x1xf32>
    %lt3A = arith.constant 1.000000e+00 : f32
    %lt3A_165 = vector.broadcast %lt3A : f32 to vector<800x1xf32>
    %lt3A_166 = arith.cmpf olt, %mul3A_161, %lt3A_165 : vector<800x1xf32>
    %mul3A_167 = arith.constant 2.100000e+01 : f32
    %mul3A_168 = vector.broadcast %mul3A_167 : f32 to vector<800x1xf32>
    %mul3A_169 = arith.mulf %mul3A_168, %mul3A_164 : vector<800x1xf32>
    %sub3A_170 = arith.constant 1.000000e+00 : f32
    %sub3A_171 = vector.broadcast %sub3A_170 : f32 to vector<800x1xf32>
    %sub3A_172 = arith.subf %sub3A_171, %mul3A_169 : vector<800x1xf32>
    %mul3A_173 = arith.constant 3.500000e+01 : f32
    %mul3A_174 = vector.broadcast %mul3A_173 : f32 to vector<800x1xf32>
    %mul3A_175 = arith.mulf %mul3A_174, %mul3A_164 : vector<800x1xf32>
    %mul3A_176 = arith.mulf %mul3A_175, %mul3A_161 : vector<800x1xf32>
    %add3A_177 = arith.addf %sub3A_172, %mul3A_176 : vector<800x1xf32>
    %mul3A_178 = arith.constant 1.500000e+01 : f32
    %mul3A_179 = vector.broadcast %mul3A_178 : f32 to vector<800x1xf32>
    %mul3A_180 = arith.mulf %mul3A_179, %mul3A_164 : vector<800x1xf32>
    %mul3A_181 = arith.mulf %mul3A_180, %mul3A_162 : vector<800x1xf32>
    %sub3A_182 = arith.subf %add3A_177, %mul3A_181 : vector<800x1xf32>
    %jit3A = arith.constant 0.000000e+00 : f32
    %broadcast_in_dim3A_183 = vector.broadcast %jit3A : f32 to vector<800x1xf32>
    %select_n3A = arith.select %lt3A_166, %sub3A_182, %broadcast_in_dim3A_183 : vector<800x1xi1>, vector<800x1xf32>
    %mul3A_184 = arith.constant 6.250000e-02 : f32
    %mul3A_185 = vector.broadcast %mul3A_184 : f32 to vector<800x1xf32>
    %mul3A_186 = arith.mulf %select_n3A, %mul3A_185 : vector<800x1xf32>
    %get3A_187 = arith.constant 0 : index
    %get3A_188 = arith.constant 0 : index
    %get3A_189 = vector.load %arg2[%get3A_187, %get3A_188] : memref<800x81xf32, #tpu.memory_space<vmem>>, vector<800x81xf32>
    %slice3A_190 = vector.extract_strided_slice %get3A_189 {offsets = [0, 0], sizes = [800, 9], strides = [1, 1]} : vector<800x81xf32> to vector<800x9xf32>
    %mul3A_191 = vector.broadcast %mul3A_186 : vector<800x1xf32> to vector<800x9xf32>
    %mul3A_192 = arith.mulf %slice3A_190, %mul3A_191 : vector<800x9xf32>
    %slice3A_193 = vector.extract_strided_slice %get3A_189 {offsets = [0, 18], sizes = [800, 9], strides = [1, 1]} : vector<800x81xf32> to vector<800x9xf32>
    %mul3A_194 = vector.broadcast %mul3A_186 : vector<800x1xf32> to vector<800x9xf32>
    %mul3A_195 = arith.mulf %slice3A_193, %mul3A_194 : vector<800x9xf32>
    %slice3A_196 = vector.extract_strided_slice %get3A_189 {offsets = [0, 54], sizes = [800, 9], strides = [1, 1]} : vector<800x81xf32> to vector<800x9xf32>
    %mul3A_197 = vector.broadcast %mul3A_186 : vector<800x1xf32> to vector<800x9xf32>
    %mul3A_198 = arith.mulf %slice3A_196, %mul3A_197 : vector<800x9xf32>
    %iota3A_199 = tpu.iota {dimensions = array<i32: 1>} : vector<9x1152xi32>
    %jit3A_200 = arith.constant 128 : i32
    %div3A_201 = vector.broadcast %jit3A_200 : i32 to vector<9x1152xi32>
    %div3A_202 = arith.divsi %iota3A_199, %div3A_201 : vector<9x1152xi32>
    %sign3A = arith.constant 0 : i32
    %sign3A_203 = vector.broadcast %sign3A : i32 to vector<9x1152xi32>
    %sign3A_204 = arith.cmpi sgt, %iota3A_199, %sign3A_203 : vector<9x1152xi32>
    %sign3A_205 = arith.extui %sign3A_204 : vector<9x1152xi1> to vector<9x1152xi32>
    %sign3A_206 = arith.constant 0 : i32
    %sign3A_207 = vector.broadcast %sign3A_206 : i32 to vector<9x1152xi32>
    %sign3A_208 = arith.cmpi slt, %iota3A_199, %sign3A_207 : vector<9x1152xi32>
    %sign3A_209 = arith.extui %sign3A_208 : vector<9x1152xi1> to vector<9x1152xi32>
    %sign3A_210 = arith.subi %sign3A_205, %sign3A_209 : vector<9x1152xi32>
    %sign3A_211 = arith.constant 0 : i32
    %sign3A_212 = arith.cmpi sgt, %jit3A_200, %sign3A_211 : i32
    %sign3A_213 = arith.extui %sign3A_212 : i1 to i32
    %sign3A_214 = arith.constant 0 : i32
    %sign3A_215 = arith.cmpi slt, %jit3A_200, %sign3A_214 : i32
    %sign3A_216 = arith.extui %sign3A_215 : i1 to i32
    %sign3A_217 = arith.subi %sign3A_213, %sign3A_216 : i32
    %ne3A = vector.broadcast %sign3A_217 : i32 to vector<9x1152xi32>
    %ne3A_218 = arith.cmpi ne, %sign3A_210, %ne3A : vector<9x1152xi32>
    %rem3A = vector.broadcast %jit3A_200 : i32 to vector<9x1152xi32>
    %rem3A_219 = arith.remsi %iota3A_199, %rem3A : vector<9x1152xi32>
    %ne3A_220 = arith.constant 0 : i32
    %ne3A_221 = vector.broadcast %ne3A_220 : i32 to vector<9x1152xi32>
    %ne3A_222 = arith.cmpi ne, %rem3A_219, %ne3A_221 : vector<9x1152xi32>
    %and3A = arith.andi %ne3A_218, %ne3A_222 : vector<9x1152xi1>
    %sub3A_223 = arith.constant 1 : i32
    %sub3A_224 = vector.broadcast %sub3A_223 : i32 to vector<9x1152xi32>
    %sub3A_225 = arith.subi %div3A_202, %sub3A_224 : vector<9x1152xi32>
    %select_n3A_226 = arith.select %and3A, %sub3A_225, %div3A_202 : vector<9x1152xi1>, vector<9x1152xi32>
    %iota3A_227 = tpu.iota {dimensions = array<i32: 0>} : vector<9x1152xi32>
    %eq3A_228 = arith.cmpi eq, %select_n3A_226, %iota3A_227 : vector<9x1152xi32>
    %convert_element_type3A_229 = arith.extui %eq3A_228 : vector<9x1152xi1> to vector<9x1152xi32>
    %convert_element_type3A_230 = arith.sitofp %convert_element_type3A_229 : vector<9x1152xi32> to vector<9x1152xf32>
    %convert_element_type3A_231 = arith.truncf %convert_element_type3A_230 : vector<9x1152xf32> to vector<9x1152xbf16>
    %convert_element_type3A_232 = arith.truncf %mul3A_192 : vector<800x9xf32> to vector<800x9xbf16>
    %dot_general3A_233 = arith.constant dense<0.000000e+00> : vector<800x1152xf32>
    %dot_general3A_234 = tpu.matmul %convert_element_type3A_232, %convert_element_type3A_231, %dot_general3A_233 {dimension_numbers = #tpu.dot_dimension_numbers<[1], [0], [0], [1], [0, 0, 1, 1], [], []>, transpose_lhs_hint = false} : vector<800x9xbf16>, vector<9x1152xbf16>, vector<800x1152xf32> -> vector<800x1152xf32>
    %convert_element_type3A_235 = arith.truncf %mul3A_195 : vector<800x9xf32> to vector<800x9xbf16>
    %dot_general3A_236 = arith.constant dense<0.000000e+00> : vector<800x1152xf32>
    %dot_general3A_237 = tpu.matmul %convert_element_type3A_235, %convert_element_type3A_231, %dot_general3A_236 {dimension_numbers = #tpu.dot_dimension_numbers<[1], [0], [0], [1], [0, 0, 1, 1], [], []>, transpose_lhs_hint = false} : vector<800x9xbf16>, vector<9x1152xbf16>, vector<800x1152xf32> -> vector<800x1152xf32>
    %convert_element_type3A_238 = arith.truncf %mul3A_198 : vector<800x9xf32> to vector<800x9xbf16>
    %dot_general3A_239 = arith.constant dense<0.000000e+00> : vector<800x1152xf32>
    %dot_general3A_240 = tpu.matmul %convert_element_type3A_238, %convert_element_type3A_231, %dot_general3A_239 {dimension_numbers = #tpu.dot_dimension_numbers<[1], [0], [0], [1], [0, 0, 1, 1], [], []>, transpose_lhs_hint = false} : vector<800x9xbf16>, vector<9x1152xbf16>, vector<800x1152xf32> -> vector<800x1152xf32>
    %slice3A_241 = vector.extract_strided_slice %dot_general3A_234 {offsets = [0, 0], sizes = [800, 128], strides = [1, 1]} : vector<800x1152xf32> to vector<800x128xf32>
    %mul3A_242 = arith.mulf %slice3A_241, %add3A_143 : vector<800x128xf32>
    %slice3A_243 = vector.extract_strided_slice %dot_general3A_237 {offsets = [0, 0], sizes = [800, 128], strides = [1, 1]} : vector<800x1152xf32> to vector<800x128xf32>
    %mul3A_244 = arith.mulf %slice3A_243, %add3A_149 : vector<800x128xf32>
    %add3A_245 = arith.addf %mul3A_242, %mul3A_244 : vector<800x128xf32>
    %slice3A_246 = vector.extract_strided_slice %dot_general3A_240 {offsets = [0, 0], sizes = [800, 128], strides = [1, 1]} : vector<800x1152xf32> to vector<800x128xf32>
    %mul3A_247 = arith.mulf %slice3A_246, %add3A_155 : vector<800x128xf32>
    %add3A_248 = arith.addf %add3A_245, %mul3A_247 : vector<800x128xf32>
    %swap3A = arith.constant 0 : index
    %swap3A_249 = arith.constant 0 : index
    %swap3A_250 = arith.constant 0 : index
    %swap3A_251 = vector.load %arg22[%swap3A, %swap3A_249, %swap3A_250] : memref<8x800x128xf32, #tpu.memory_space<vmem>>, vector<1x800x128xf32>
    %swap3A_252 = vector.shape_cast %swap3A_251 : vector<1x800x128xf32> to vector<800x128xf32>
    %swap3A_253 = vector.shape_cast %add3A_248 : vector<800x128xf32> to vector<1x800x128xf32>
    tpu.vector_store %arg22[%swap3A, %swap3A_249, %swap3A_250], %swap3A_253 {strides = array<i32>} : memref<8x800x128xf32, #tpu.memory_space<vmem>>, vector<1x800x128xf32>,
    %slice3A_254 = vector.extract_strided_slice %dot_general3A_234 {offsets = [0, 128], sizes = [800, 128], strides = [1, 1]} : vector<800x1152xf32> to vector<800x128xf32>
    %mul3A_255 = arith.mulf %slice3A_254, %add3A_143 : vector<800x128xf32>
    %slice3A_256 = vector.extract_strided_slice %dot_general3A_237 {offsets = [0, 128], sizes = [800, 128], strides = [1, 1]} : vector<800x1152xf32> to vector<800x128xf32>
    %mul3A_257 = arith.mulf %slice3A_256, %add3A_149 : vector<800x128xf32>
    %add3A_258 = arith.addf %mul3A_255, %mul3A_257 : vector<800x128xf32>
    %slice3A_259 = vector.extract_strided_slice %dot_general3A_240 {offsets = [0, 128], sizes = [800, 128], strides = [1, 1]} : vector<800x1152xf32> to vector<800x128xf32>
    %mul3A_260 = arith.mulf %slice3A_259, %add3A_155 : vector<800x128xf32>
    %add3A_261 = arith.addf %add3A_258, %mul3A_260 : vector<800x128xf32>
    %swap3A_262 = arith.constant 1 : index
    %swap3A_263 = arith.constant 0 : index
    %swap3A_264 = arith.constant 0 : index
    %swap3A_265 = vector.load %arg22[%swap3A_262, %swap3A_263, %swap3A_264] : memref<8x800x128xf32, #tpu.memory_space<vmem>>, vector<1x800x128xf32>
    %swap3A_266 = vector.shape_cast %swap3A_265 : vector<1x800x128xf32> to vector<800x128xf32>
    %swap3A_267 = vector.shape_cast %add3A_261 : vector<800x128xf32> to vector<1x800x128xf32>
    tpu.vector_store %arg22[%swap3A_262, %swap3A_263, %swap3A_264], %swap3A_267 {strides = array<i32>} : memref<8x800x128xf32, #tpu.memory_space<vmem>>, vector<1x800x128xf32>,
    %slice3A_268 = vector.extract_strided_slice %dot_general3A_234 {offsets = [0, 256], sizes = [800, 128], strides = [1, 1]} : vector<800x1152xf32> to vector<800x128xf32>
    %mul3A_269 = arith.mulf %slice3A_268, %add3A_143 : vector<800x128xf32>
    %slice3A_270 = vector.extract_strided_slice %dot_general3A_237 {offsets = [0, 256], sizes = [800, 128], strides = [1, 1]} : vector<800x1152xf32> to vector<800x128xf32>
    %mul3A_271 = arith.mulf %slice3A_270, %add3A_149 : vector<800x128xf32>
    %add3A_272 = arith.addf %mul3A_269, %mul3A_271 : vector<800x128xf32>
    %slice3A_273 = vector.extract_strided_slice %dot_general3A_240 {offsets = [0, 256], sizes = [800, 128], strides = [1, 1]} : vector<800x1152xf32> to vector<800x128xf32>
    %mul3A_274 = arith.mulf %slice3A_273, %add3A_155 : vector<800x128xf32>
    %add3A_275 = arith.addf %add3A_272, %mul3A_274 : vector<800x128xf32>
    %swap3A_276 = arith.constant 2 : index
    %swap3A_277 = arith.constant 0 : index
    %swap3A_278 = arith.constant 0 : index
    %swap3A_279 = vector.load %arg22[%swap3A_276, %swap3A_277, %swap3A_278] : memref<8x800x128xf32, #tpu.memory_space<vmem>>, vector<1x800x128xf32>
    %swap3A_280 = vector.shape_cast %swap3A_279 : vector<1x800x128xf32> to vector<800x128xf32>
    %swap3A_281 = vector.shape_cast %add3A_275 : vector<800x128xf32> to vector<1x800x128xf32>
    tpu.vector_store %arg22[%swap3A_276, %swap3A_277, %swap3A_278], %swap3A_281 {strides = array<i32>} : memref<8x800x128xf32, #tpu.memory_space<vmem>>, vector<1x800x128xf32>,
    %slice3A_282 = vector.extract_strided_slice %dot_general3A_234 {offsets = [0, 384], sizes = [800, 128], strides = [1, 1]} : vector<800x1152xf32> to vector<800x128xf32>
    %mul3A_283 = arith.mulf %slice3A_282, %add3A_143 : vector<800x128xf32>
    %slice3A_284 = vector.extract_strided_slice %dot_general3A_237 {offsets = [0, 384], sizes = [800, 128], strides = [1, 1]} : vector<800x1152xf32> to vector<800x128xf32>
    %mul3A_285 = arith.mulf %slice3A_284, %add3A_149 : vector<800x128xf32>
    %add3A_286 = arith.addf %mul3A_283, %mul3A_285 : vector<800x128xf32>
    %slice3A_287 = vector.extract_strided_slice %dot_general3A_240 {offsets = [0, 384], sizes = [800, 128], strides = [1, 1]} : vector<800x1152xf32> to vector<800x128xf32>
    %mul3A_288 = arith.mulf %slice3A_287, %add3A_155 : vector<800x128xf32>
    %add3A_289 = arith.addf %add3A_286, %mul3A_288 : vector<800x128xf32>
    %swap3A_290 = arith.constant 3 : index
    %swap3A_291 = arith.constant 0 : index
    %swap3A_292 = arith.constant 0 : index
    %swap3A_293 = vector.load %arg22[%swap3A_290, %swap3A_291, %swap3A_292] : memref<8x800x128xf32, #tpu.memory_space<vmem>>, vector<1x800x128xf32>
    %swap3A_294 = vector.shape_cast %swap3A_293 : vector<1x800x128xf32> to vector<800x128xf32>
    %swap3A_295 = vector.shape_cast %add3A_289 : vector<800x128xf32> to vector<1x800x128xf32>
    tpu.vector_store %arg22[%swap3A_290, %swap3A_291, %swap3A_292], %swap3A_295 {strides = array<i32>} : memref<8x800x128xf32, #tpu.memory_space<vmem>>, vector<1x800x128xf32>,
    %slice3A_296 = vector.extract_strided_slice %dot_general3A_234 {offsets = [0, 512], sizes = [800, 128], strides = [1, 1]} : vector<800x1152xf32> to vector<800x128xf32>
    %mul3A_297 = arith.mulf %slice3A_296, %add3A_143 : vector<800x128xf32>
    %slice3A_298 = vector.extract_strided_slice %dot_general3A_237 {offsets = [0, 512], sizes = [800, 128], strides = [1, 1]} : vector<800x1152xf32> to vector<800x128xf32>
    %mul3A_299 = arith.mulf %slice3A_298, %add3A_149 : vector<800x128xf32>
    %add3A_300 = arith.addf %mul3A_297, %mul3A_299 : vector<800x128xf32>
    %slice3A_301 = vector.extract_strided_slice %dot_general3A_240 {offsets = [0, 512], sizes = [800, 128], strides = [1, 1]} : vector<800x1152xf32> to vector<800x128xf32>
    %mul3A_302 = arith.mulf %slice3A_301, %add3A_155 : vector<800x128xf32>
    %add3A_303 = arith.addf %add3A_300, %mul3A_302 : vector<800x128xf32>
    %swap3A_304 = arith.constant 4 : index
    %swap3A_305 = arith.constant 0 : index
    %swap3A_306 = arith.constant 0 : index
    %swap3A_307 = vector.load %arg22[%swap3A_304, %swap3A_305, %swap3A_306] : memref<8x800x128xf32, #tpu.memory_space<vmem>>, vector<1x800x128xf32>
    %swap3A_308 = vector.shape_cast %swap3A_307 : vector<1x800x128xf32> to vector<800x128xf32>
    %swap3A_309 = vector.shape_cast %add3A_303 : vector<800x128xf32> to vector<1x800x128xf32>
    tpu.vector_store %arg22[%swap3A_304, %swap3A_305, %swap3A_306], %swap3A_309 {strides = array<i32>} : memref<8x800x128xf32, #tpu.memory_space<vmem>>, vector<1x800x128xf32>,
    %slice3A_310 = vector.extract_strided_slice %dot_general3A_234 {offsets = [0, 640], sizes = [800, 128], strides = [1, 1]} : vector<800x1152xf32> to vector<800x128xf32>
    %mul3A_311 = arith.mulf %slice3A_310, %add3A_143 : vector<800x128xf32>
    %slice3A_312 = vector.extract_strided_slice %dot_general3A_237 {offsets = [0, 640], sizes = [800, 128], strides = [1, 1]} : vector<800x1152xf32> to vector<800x128xf32>
    %mul3A_313 = arith.mulf %slice3A_312, %add3A_149 : vector<800x128xf32>
    %add3A_314 = arith.addf %mul3A_311, %mul3A_313 : vector<800x128xf32>
    %slice3A_315 = vector.extract_strided_slice %dot_general3A_240 {offsets = [0, 640], sizes = [800, 128], strides = [1, 1]} : vector<800x1152xf32> to vector<800x128xf32>
    %mul3A_316 = arith.mulf %slice3A_315, %add3A_155 : vector<800x128xf32>
    %add3A_317 = arith.addf %add3A_314, %mul3A_316 : vector<800x128xf32>
    %swap3A_318 = arith.constant 5 : index
    %swap3A_319 = arith.constant 0 : index
    %swap3A_320 = arith.constant 0 : index
    %swap3A_321 = vector.load %arg22[%swap3A_318, %swap3A_319, %swap3A_320] : memref<8x800x128xf32, #tpu.memory_space<vmem>>, vector<1x800x128xf32>
    %swap3A_322 = vector.shape_cast %swap3A_321 : vector<1x800x128xf32> to vector<800x128xf32>
    %swap3A_323 = vector.shape_cast %add3A_317 : vector<800x128xf32> to vector<1x800x128xf32>
    tpu.vector_store %arg22[%swap3A_318, %swap3A_319, %swap3A_320], %swap3A_323 {strides = array<i32>} : memref<8x800x128xf32, #tpu.memory_space<vmem>>, vector<1x800x128xf32>,
    %slice3A_324 = vector.extract_strided_slice %dot_general3A_234 {offsets = [0, 768], sizes = [800, 128], strides = [1, 1]} : vector<800x1152xf32> to vector<800x128xf32>
    %mul3A_325 = arith.mulf %slice3A_324, %add3A_143 : vector<800x128xf32>
    %slice3A_326 = vector.extract_strided_slice %dot_general3A_237 {offsets = [0, 768], sizes = [800, 128], strides = [1, 1]} : vector<800x1152xf32> to vector<800x128xf32>
    %mul3A_327 = arith.mulf %slice3A_326, %add3A_149 : vector<800x128xf32>
    %add3A_328 = arith.addf %mul3A_325, %mul3A_327 : vector<800x128xf32>
    %slice3A_329 = vector.extract_strided_slice %dot_general3A_240 {offsets = [0, 768], sizes = [800, 128], strides = [1, 1]} : vector<800x1152xf32> to vector<800x128xf32>
    %mul3A_330 = arith.mulf %slice3A_329, %add3A_155 : vector<800x128xf32>
    %add3A_331 = arith.addf %add3A_328, %mul3A_330 : vector<800x128xf32>
    %swap3A_332 = arith.constant 6 : index
    %swap3A_333 = arith.constant 0 : index
    %swap3A_334 = arith.constant 0 : index
    %swap3A_335 = vector.load %arg22[%swap3A_332, %swap3A_333, %swap3A_334] : memref<8x800x128xf32, #tpu.memory_space<vmem>>, vector<1x800x128xf32>
    %swap3A_336 = vector.shape_cast %swap3A_335 : vector<1x800x128xf32> to vector<800x128xf32>
    %swap3A_337 = vector.shape_cast %add3A_331 : vector<800x128xf32> to vector<1x800x128xf32>
    tpu.vector_store %arg22[%swap3A_332, %swap3A_333, %swap3A_334], %swap3A_337 {strides = array<i32>} : memref<8x800x128xf32, #tpu.memory_space<vmem>>, vector<1x800x128xf32>,
    %slice3A_338 = vector.extract_strided_slice %dot_general3A_234 {offsets = [0, 896], sizes = [800, 128], strides = [1, 1]} : vector<800x1152xf32> to vector<800x128xf32>
    %mul3A_339 = arith.mulf %slice3A_338, %add3A_143 : vector<800x128xf32>
    %slice3A_340 = vector.extract_strided_slice %dot_general3A_237 {offsets = [0, 896], sizes = [800, 128], strides = [1, 1]} : vector<800x1152xf32> to vector<800x128xf32>
    %mul3A_341 = arith.mulf %slice3A_340, %add3A_149 : vector<800x128xf32>
    %add3A_342 = arith.addf %mul3A_339, %mul3A_341 : vector<800x128xf32>
    %slice3A_343 = vector.extract_strided_slice %dot_general3A_240 {offsets = [0, 896], sizes = [800, 128], strides = [1, 1]} : vector<800x1152xf32> to vector<800x128xf32>
    %mul3A_344 = arith.mulf %slice3A_343, %add3A_155 : vector<800x128xf32>
    %add3A_345 = arith.addf %add3A_342, %mul3A_344 : vector<800x128xf32>
    %swap3A_346 = arith.constant 7 : index
    %swap3A_347 = arith.constant 0 : index
    %swap3A_348 = arith.constant 0 : index
    %swap3A_349 = vector.load %arg22[%swap3A_346, %swap3A_347, %swap3A_348] : memref<8x800x128xf32, #tpu.memory_space<vmem>>, vector<1x800x128xf32>
    %swap3A_350 = vector.shape_cast %swap3A_349 : vector<1x800x128xf32> to vector<800x128xf32>
    %swap3A_351 = vector.shape_cast %add3A_345 : vector<800x128xf32> to vector<1x800x128xf32>
    tpu.vector_store %arg22[%swap3A_346, %swap3A_347, %swap3A_348], %swap3A_351 {strides = array<i32>} : memref<8x800x128xf32, #tpu.memory_space<vmem>>, vector<1x800x128xf32>,
    %slice3A_352 = vector.extract_strided_slice %dot_general3A_234 {offsets = [0, 1024], sizes = [800, 128], strides = [1, 1]} : vector<800x1152xf32> to vector<800x128xf32>
    %mul3A_353 = arith.mulf %slice3A_352, %add3A_143 : vector<800x128xf32>
    %slice3A_354 = vector.extract_strided_slice %dot_general3A_237 {offsets = [0, 1024], sizes = [800, 128], strides = [1, 1]} : vector<800x1152xf32> to vector<800x128xf32>
    %mul3A_355 = arith.mulf %slice3A_354, %add3A_149 : vector<800x128xf32>
    %add3A_356 = arith.addf %mul3A_353, %mul3A_355 : vector<800x128xf32>
    %slice3A_357 = vector.extract_strided_slice %dot_general3A_240 {offsets = [0, 1024], sizes = [800, 128], strides = [1, 1]} : vector<800x1152xf32> to vector<800x128xf32>
    %mul3A_358 = arith.mulf %slice3A_357, %add3A_155 : vector<800x128xf32>
    %add3A_359 = arith.addf %add3A_356, %mul3A_358 : vector<800x128xf32>
    %swap3A_360 = arith.constant 0 : index
    %swap3A_361 = arith.constant 0 : index
    %swap3A_362 = vector.load %arg24[%swap3A_360, %swap3A_361] : memref<800x128xf32, #tpu.memory_space<vmem>>, vector<800x128xf32>
    tpu.vector_store %arg24[%swap3A_360, %swap3A_361], %add3A_359 {strides = array<i32>} : memref<800x128xf32, #tpu.memory_space<vmem>>, vector<800x128xf32>,
    %dma_start3A = arith.constant 0 : i32
    %dma_start3A_363 = arith.constant 0 : i32
    %dma_start3A_364 = arith.constant 0 : i32
    %dma_start3A_365 = arith.constant 0 : i32
    %dma_start3A_366 = tpu.memref_slice %arg23[%dma_start3A_364, %dma_start3A_363, %dma_start3A_365] : memref<800x8x128xf32, #tpu.memory_space<vmem>> -> memref<800x1x128xf32, #tpu.memory_space<vmem>>
    %dma_start3A_367 = tpu.memref_squeeze %dma_start3A_366 : memref<800x1x128xf32, #tpu.memory_space<vmem>> -> memref<800x128xf32, #tpu.memory_space<vmem>>
    %dma_start3A_368 = arith.constant 0 : i32
    %dma_start3A_369 = arith.constant 0 : i32
    %dma_start3A_370 = tpu.memref_slice %arg22[%dma_start3A, %dma_start3A_368, %dma_start3A_369] : memref<8x800x128xf32, #tpu.memory_space<vmem>> -> memref<1x800x128xf32, #tpu.memory_space<vmem>>
    %dma_start3A_371 = tpu.memref_squeeze %dma_start3A_370 : memref<1x800x128xf32, #tpu.memory_space<vmem>> -> memref<800x128xf32, #tpu.memory_space<vmem>>
    tpu.enqueue_dma source(%dma_start3A_371 : memref<800x128xf32, #tpu.memory_space<vmem>>) target(%dma_start3A_367 : memref<800x128xf32, #tpu.memory_space<vmem>>) target_semaphore(%arg25 : memref<!tpu.dma_semaphore, #tpu.memory_space<semaphore_mem>>)
    %dma_start3A_372 = arith.constant 1 : i32
    %dma_start3A_373 = arith.constant 1 : i32
    %dma_start3A_374 = arith.constant 0 : i32
    %dma_start3A_375 = arith.constant 0 : i32
    %dma_start3A_376 = tpu.memref_slice %arg23[%dma_start3A_374, %dma_start3A_373, %dma_start3A_375] : memref<800x8x128xf32, #tpu.memory_space<vmem>> -> memref<800x1x128xf32, #tpu.memory_space<vmem>>
    %dma_start3A_377 = tpu.memref_squeeze %dma_start3A_376 : memref<800x1x128xf32, #tpu.memory_space<vmem>> -> memref<800x128xf32, #tpu.memory_space<vmem>>
    %dma_start3A_378 = arith.constant 0 : i32
    %dma_start3A_379 = arith.constant 0 : i32
    %dma_start3A_380 = tpu.memref_slice %arg22[%dma_start3A_372, %dma_start3A_378, %dma_start3A_379] : memref<8x800x128xf32, #tpu.memory_space<vmem>> -> memref<1x800x128xf32, #tpu.memory_space<vmem>>
    %dma_start3A_381 = tpu.memref_squeeze %dma_start3A_380 : memref<1x800x128xf32, #tpu.memory_space<vmem>> -> memref<800x128xf32, #tpu.memory_space<vmem>>
    tpu.enqueue_dma source(%dma_start3A_381 : memref<800x128xf32, #tpu.memory_space<vmem>>) target(%dma_start3A_377 : memref<800x128xf32, #tpu.memory_space<vmem>>) target_semaphore(%arg25 : memref<!tpu.dma_semaphore, #tpu.memory_space<semaphore_mem>>)
    %dma_start3A_382 = arith.constant 2 : i32
    %dma_start3A_383 = arith.constant 2 : i32
    %dma_start3A_384 = arith.constant 0 : i32
    %dma_start3A_385 = arith.constant 0 : i32
    %dma_start3A_386 = tpu.memref_slice %arg23[%dma_start3A_384, %dma_start3A_383, %dma_start3A_385] : memref<800x8x128xf32, #tpu.memory_space<vmem>> -> memref<800x1x128xf32, #tpu.memory_space<vmem>>
    %dma_start3A_387 = tpu.memref_squeeze %dma_start3A_386 : memref<800x1x128xf32, #tpu.memory_space<vmem>> -> memref<800x128xf32, #tpu.memory_space<vmem>>
    %dma_start3A_388 = arith.constant 0 : i32
    %dma_start3A_389 = arith.constant 0 : i32
    %dma_start3A_390 = tpu.memref_slice %arg22[%dma_start3A_382, %dma_start3A_388, %dma_start3A_389] : memref<8x800x128xf32, #tpu.memory_space<vmem>> -> memref<1x800x128xf32, #tpu.memory_space<vmem>>
    %dma_start3A_391 = tpu.memref_squeeze %dma_start3A_390 : memref<1x800x128xf32, #tpu.memory_space<vmem>> -> memref<800x128xf32, #tpu.memory_space<vmem>>
    tpu.enqueue_dma source(%dma_start3A_391 : memref<800x128xf32, #tpu.memory_space<vmem>>) target(%dma_start3A_387 : memref<800x128xf32, #tpu.memory_space<vmem>>) target_semaphore(%arg25 : memref<!tpu.dma_semaphore, #tpu.memory_space<semaphore_mem>>)
    %dma_start3A_392 = arith.constant 3 : i32
    %dma_start3A_393 = arith.constant 3 : i32
    %dma_start3A_394 = arith.constant 0 : i32
    %dma_start3A_395 = arith.constant 0 : i32
    %dma_start3A_396 = tpu.memref_slice %arg23[%dma_start3A_394, %dma_start3A_393, %dma_start3A_395] : memref<800x8x128xf32, #tpu.memory_space<vmem>> -> memref<800x1x128xf32, #tpu.memory_space<vmem>>
    %dma_start3A_397 = tpu.memref_squeeze %dma_start3A_396 : memref<800x1x128xf32, #tpu.memory_space<vmem>> -> memref<800x128xf32, #tpu.memory_space<vmem>>
    %dma_start3A_398 = arith.constant 0 : i32
    %dma_start3A_399 = arith.constant 0 : i32
    %dma_start3A_400 = tpu.memref_slice %arg22[%dma_start3A_392, %dma_start3A_398, %dma_start3A_399] : memref<8x800x128xf32, #tpu.memory_space<vmem>> -> memref<1x800x128xf32, #tpu.memory_space<vmem>>
    %dma_start3A_401 = tpu.memref_squeeze %dma_start3A_400 : memref<1x800x128xf32, #tpu.memory_space<vmem>> -> memref<800x128xf32, #tpu.memory_space<vmem>>
    tpu.enqueue_dma source(%dma_start3A_401 : memref<800x128xf32, #tpu.memory_space<vmem>>) target(%dma_start3A_397 : memref<800x128xf32, #tpu.memory_space<vmem>>) target_semaphore(%arg25 : memref<!tpu.dma_semaphore, #tpu.memory_space<semaphore_mem>>)
    %dma_start3A_402 = arith.constant 4 : i32
    %dma_start3A_403 = arith.constant 4 : i32
    %dma_start3A_404 = arith.constant 0 : i32
    %dma_start3A_405 = arith.constant 0 : i32
    %dma_start3A_406 = tpu.memref_slice %arg23[%dma_start3A_404, %dma_start3A_403, %dma_start3A_405] : memref<800x8x128xf32, #tpu.memory_space<vmem>> -> memref<800x1x128xf32, #tpu.memory_space<vmem>>
    %dma_start3A_407 = tpu.memref_squeeze %dma_start3A_406 : memref<800x1x128xf32, #tpu.memory_space<vmem>> -> memref<800x128xf32, #tpu.memory_space<vmem>>
    %dma_start3A_408 = arith.constant 0 : i32
    %dma_start3A_409 = arith.constant 0 : i32
    %dma_start3A_410 = tpu.memref_slice %arg22[%dma_start3A_402, %dma_start3A_408, %dma_start3A_409] : memref<8x800x128xf32, #tpu.memory_space<vmem>> -> memref<1x800x128xf32, #tpu.memory_space<vmem>>
    %dma_start3A_411 = tpu.memref_squeeze %dma_start3A_410 : memref<1x800x128xf32, #tpu.memory_space<vmem>> -> memref<800x128xf32, #tpu.memory_space<vmem>>
    tpu.enqueue_dma source(%dma_start3A_411 : memref<800x128xf32, #tpu.memory_space<vmem>>) target(%dma_start3A_407 : memref<800x128xf32, #tpu.memory_space<vmem>>) target_semaphore(%arg25 : memref<!tpu.dma_semaphore, #tpu.memory_space<semaphore_mem>>)
    %dma_start3A_412 = arith.constant 5 : i32
    %dma_start3A_413 = arith.constant 5 : i32
    %dma_start3A_414 = arith.constant 0 : i32
    %dma_start3A_415 = arith.constant 0 : i32
    %dma_start3A_416 = tpu.memref_slice %arg23[%dma_start3A_414, %dma_start3A_413, %dma_start3A_415] : memref<800x8x128xf32, #tpu.memory_space<vmem>> -> memref<800x1x128xf32, #tpu.memory_space<vmem>>
    %dma_start3A_417 = tpu.memref_squeeze %dma_start3A_416 : memref<800x1x128xf32, #tpu.memory_space<vmem>> -> memref<800x128xf32, #tpu.memory_space<vmem>>
    %dma_start3A_418 = arith.constant 0 : i32
    %dma_start3A_419 = arith.constant 0 : i32
    %dma_start3A_420 = tpu.memref_slice %arg22[%dma_start3A_412, %dma_start3A_418, %dma_start3A_419] : memref<8x800x128xf32, #tpu.memory_space<vmem>> -> memref<1x800x128xf32, #tpu.memory_space<vmem>>
    %dma_start3A_421 = tpu.memref_squeeze %dma_start3A_420 : memref<1x800x128xf32, #tpu.memory_space<vmem>> -> memref<800x128xf32, #tpu.memory_space<vmem>>
    tpu.enqueue_dma source(%dma_start3A_421 : memref<800x128xf32, #tpu.memory_space<vmem>>) target(%dma_start3A_417 : memref<800x128xf32, #tpu.memory_space<vmem>>) target_semaphore(%arg25 : memref<!tpu.dma_semaphore, #tpu.memory_space<semaphore_mem>>)
    %dma_start3A_422 = arith.constant 6 : i32
    %dma_start3A_423 = arith.constant 6 : i32
    %dma_start3A_424 = arith.constant 0 : i32
    %dma_start3A_425 = arith.constant 0 : i32
    %dma_start3A_426 = tpu.memref_slice %arg23[%dma_start3A_424, %dma_start3A_423, %dma_start3A_425] : memref<800x8x128xf32, #tpu.memory_space<vmem>> -> memref<800x1x128xf32, #tpu.memory_space<vmem>>
    %dma_start3A_427 = tpu.memref_squeeze %dma_start3A_426 : memref<800x1x128xf32, #tpu.memory_space<vmem>> -> memref<800x128xf32, #tpu.memory_space<vmem>>
    %dma_start3A_428 = arith.constant 0 : i32
    %dma_start3A_429 = arith.constant 0 : i32
    %dma_start3A_430 = tpu.memref_slice %arg22[%dma_start3A_422, %dma_start3A_428, %dma_start3A_429] : memref<8x800x128xf32, #tpu.memory_space<vmem>> -> memref<1x800x128xf32, #tpu.memory_space<vmem>>
    %dma_start3A_431 = tpu.memref_squeeze %dma_start3A_430 : memref<1x800x128xf32, #tpu.memory_space<vmem>> -> memref<800x128xf32, #tpu.memory_space<vmem>>
    tpu.enqueue_dma source(%dma_start3A_431 : memref<800x128xf32, #tpu.memory_space<vmem>>) target(%dma_start3A_427 : memref<800x128xf32, #tpu.memory_space<vmem>>) target_semaphore(%arg25 : memref<!tpu.dma_semaphore, #tpu.memory_space<semaphore_mem>>)
    %dma_start3A_432 = arith.constant 7 : i32
    %dma_start3A_433 = arith.constant 7 : i32
    %dma_start3A_434 = arith.constant 0 : i32
    %dma_start3A_435 = arith.constant 0 : i32
    %dma_start3A_436 = tpu.memref_slice %arg23[%dma_start3A_434, %dma_start3A_433, %dma_start3A_435] : memref<800x8x128xf32, #tpu.memory_space<vmem>> -> memref<800x1x128xf32, #tpu.memory_space<vmem>>
    %dma_start3A_437 = tpu.memref_squeeze %dma_start3A_436 : memref<800x1x128xf32, #tpu.memory_space<vmem>> -> memref<800x128xf32, #tpu.memory_space<vmem>>
    %dma_start3A_438 = arith.constant 0 : i32
    %dma_start3A_439 = arith.constant 0 : i32
    %dma_start3A_440 = tpu.memref_slice %arg22[%dma_start3A_432, %dma_start3A_438, %dma_start3A_439] : memref<8x800x128xf32, #tpu.memory_space<vmem>> -> memref<1x800x128xf32, #tpu.memory_space<vmem>>
    %dma_start3A_441 = tpu.memref_squeeze %dma_start3A_440 : memref<1x800x128xf32, #tpu.memory_space<vmem>> -> memref<800x128xf32, #tpu.memory_space<vmem>>
    tpu.enqueue_dma source(%dma_start3A_441 : memref<800x128xf32, #tpu.memory_space<vmem>>) target(%dma_start3A_437 : memref<800x128xf32, #tpu.memory_space<vmem>>) target_semaphore(%arg25 : memref<!tpu.dma_semaphore, #tpu.memory_space<semaphore_mem>>)
    %dma_wait3A = arith.constant 0 : i32
    %dma_wait3A_442 = arith.constant 0 : i32
    %dma_wait3A_443 = arith.constant 0 : i32
    %dma_wait3A_444 = arith.constant 0 : i32
    %dma_wait3A_445 = tpu.memref_slice %arg23[%dma_wait3A_443, %dma_wait3A_442, %dma_wait3A_444] : memref<800x8x128xf32, #tpu.memory_space<vmem>> -> memref<800x1x128xf32, #tpu.memory_space<vmem>>
    %dma_wait3A_446 = tpu.memref_squeeze %dma_wait3A_445 : memref<800x1x128xf32, #tpu.memory_space<vmem>> -> memref<800x128xf32, #tpu.memory_space<vmem>>
    %dma_wait3A_447 = arith.constant 0 : i32
    %dma_wait3A_448 = arith.constant 0 : i32
    %dma_wait3A_449 = tpu.memref_slice %arg22[%dma_wait3A, %dma_wait3A_447, %dma_wait3A_448] : memref<8x800x128xf32, #tpu.memory_space<vmem>> -> memref<1x800x128xf32, #tpu.memory_space<vmem>>
    %dma_wait3A_450 = tpu.memref_squeeze %dma_wait3A_449 : memref<1x800x128xf32, #tpu.memory_space<vmem>> -> memref<800x128xf32, #tpu.memory_space<vmem>>
    tpu.wait_dma2 semaphore(%arg25 : memref<!tpu.dma_semaphore, #tpu.memory_space<semaphore_mem>>) src(%dma_wait3A_450 : memref<800x128xf32, #tpu.memory_space<vmem>>) dst(%dma_wait3A_446 : memref<800x128xf32, #tpu.memory_space<vmem>>)
    %dma_wait3A_451 = arith.constant 1 : i32
    %dma_wait3A_452 = arith.constant 1 : i32
    %dma_wait3A_453 = arith.constant 0 : i32
    %dma_wait3A_454 = arith.constant 0 : i32
    %dma_wait3A_455 = tpu.memref_slice %arg23[%dma_wait3A_453, %dma_wait3A_452, %dma_wait3A_454] : memref<800x8x128xf32, #tpu.memory_space<vmem>> -> memref<800x1x128xf32, #tpu.memory_space<vmem>>
    %dma_wait3A_456 = tpu.memref_squeeze %dma_wait3A_455 : memref<800x1x128xf32, #tpu.memory_space<vmem>> -> memref<800x128xf32, #tpu.memory_space<vmem>>
    %dma_wait3A_457 = arith.constant 0 : i32
    %dma_wait3A_458 = arith.constant 0 : i32
    %dma_wait3A_459 = tpu.memref_slice %arg22[%dma_wait3A_451, %dma_wait3A_457, %dma_wait3A_458] : memref<8x800x128xf32, #tpu.memory_space<vmem>> -> memref<1x800x128xf32, #tpu.memory_space<vmem>>
    %dma_wait3A_460 = tpu.memref_squeeze %dma_wait3A_459 : memref<1x800x128xf32, #tpu.memory_space<vmem>> -> memref<800x128xf32, #tpu.memory_space<vmem>>
    tpu.wait_dma2 semaphore(%arg25 : memref<!tpu.dma_semaphore, #tpu.memory_space<semaphore_mem>>) src(%dma_wait3A_460 : memref<800x128xf32, #tpu.memory_space<vmem>>) dst(%dma_wait3A_456 : memref<800x128xf32, #tpu.memory_space<vmem>>)
    %dma_wait3A_461 = arith.constant 2 : i32
    %dma_wait3A_462 = arith.constant 2 : i32
    %dma_wait3A_463 = arith.constant 0 : i32
    %dma_wait3A_464 = arith.constant 0 : i32
    %dma_wait3A_465 = tpu.memref_slice %arg23[%dma_wait3A_463, %dma_wait3A_462, %dma_wait3A_464] : memref<800x8x128xf32, #tpu.memory_space<vmem>> -> memref<800x1x128xf32, #tpu.memory_space<vmem>>
    %dma_wait3A_466 = tpu.memref_squeeze %dma_wait3A_465 : memref<800x1x128xf32, #tpu.memory_space<vmem>> -> memref<800x128xf32, #tpu.memory_space<vmem>>
    %dma_wait3A_467 = arith.constant 0 : i32
    %dma_wait3A_468 = arith.constant 0 : i32
    %dma_wait3A_469 = tpu.memref_slice %arg22[%dma_wait3A_461, %dma_wait3A_467, %dma_wait3A_468] : memref<8x800x128xf32, #tpu.memory_space<vmem>> -> memref<1x800x128xf32, #tpu.memory_space<vmem>>
    %dma_wait3A_470 = tpu.memref_squeeze %dma_wait3A_469 : memref<1x800x128xf32, #tpu.memory_space<vmem>> -> memref<800x128xf32, #tpu.memory_space<vmem>>
    tpu.wait_dma2 semaphore(%arg25 : memref<!tpu.dma_semaphore, #tpu.memory_space<semaphore_mem>>) src(%dma_wait3A_470 : memref<800x128xf32, #tpu.memory_space<vmem>>) dst(%dma_wait3A_466 : memref<800x128xf32, #tpu.memory_space<vmem>>)
    %dma_wait3A_471 = arith.constant 3 : i32
    %dma_wait3A_472 = arith.constant 3 : i32
    %dma_wait3A_473 = arith.constant 0 : i32
    %dma_wait3A_474 = arith.constant 0 : i32
    %dma_wait3A_475 = tpu.memref_slice %arg23[%dma_wait3A_473, %dma_wait3A_472, %dma_wait3A_474] : memref<800x8x128xf32, #tpu.memory_space<vmem>> -> memref<800x1x128xf32, #tpu.memory_space<vmem>>
    %dma_wait3A_476 = tpu.memref_squeeze %dma_wait3A_475 : memref<800x1x128xf32, #tpu.memory_space<vmem>> -> memref<800x128xf32, #tpu.memory_space<vmem>>
    %dma_wait3A_477 = arith.constant 0 : i32
    %dma_wait3A_478 = arith.constant 0 : i32
    %dma_wait3A_479 = tpu.memref_slice %arg22[%dma_wait3A_471, %dma_wait3A_477, %dma_wait3A_478] : memref<8x800x128xf32, #tpu.memory_space<vmem>> -> memref<1x800x128xf32, #tpu.memory_space<vmem>>
    %dma_wait3A_480 = tpu.memref_squeeze %dma_wait3A_479 : memref<1x800x128xf32, #tpu.memory_space<vmem>> -> memref<800x128xf32, #tpu.memory_space<vmem>>
    tpu.wait_dma2 semaphore(%arg25 : memref<!tpu.dma_semaphore, #tpu.memory_space<semaphore_mem>>) src(%dma_wait3A_480 : memref<800x128xf32, #tpu.memory_space<vmem>>) dst(%dma_wait3A_476 : memref<800x128xf32, #tpu.memory_space<vmem>>)
    %dma_wait3A_481 = arith.constant 4 : i32
    %dma_wait3A_482 = arith.constant 4 : i32
    %dma_wait3A_483 = arith.constant 0 : i32
    %dma_wait3A_484 = arith.constant 0 : i32
    %dma_wait3A_485 = tpu.memref_slice %arg23[%dma_wait3A_483, %dma_wait3A_482, %dma_wait3A_484] : memref<800x8x128xf32, #tpu.memory_space<vmem>> -> memref<800x1x128xf32, #tpu.memory_space<vmem>>
    %dma_wait3A_486 = tpu.memref_squeeze %dma_wait3A_485 : memref<800x1x128xf32, #tpu.memory_space<vmem>> -> memref<800x128xf32, #tpu.memory_space<vmem>>
    %dma_wait3A_487 = arith.constant 0 : i32
    %dma_wait3A_488 = arith.constant 0 : i32
    %dma_wait3A_489 = tpu.memref_slice %arg22[%dma_wait3A_481, %dma_wait3A_487, %dma_wait3A_488] : memref<8x800x128xf32, #tpu.memory_space<vmem>> -> memref<1x800x128xf32, #tpu.memory_space<vmem>>
    %dma_wait3A_490 = tpu.memref_squeeze %dma_wait3A_489 : memref<1x800x128xf32, #tpu.memory_space<vmem>> -> memref<800x128xf32, #tpu.memory_space<vmem>>
    tpu.wait_dma2 semaphore(%arg25 : memref<!tpu.dma_semaphore, #tpu.memory_space<semaphore_mem>>) src(%dma_wait3A_490 : memref<800x128xf32, #tpu.memory_space<vmem>>) dst(%dma_wait3A_486 : memref<800x128xf32, #tpu.memory_space<vmem>>)
    %dma_wait3A_491 = arith.constant 5 : i32
    %dma_wait3A_492 = arith.constant 5 : i32
    %dma_wait3A_493 = arith.constant 0 : i32
    %dma_wait3A_494 = arith.constant 0 : i32
    %dma_wait3A_495 = tpu.memref_slice %arg23[%dma_wait3A_493, %dma_wait3A_492, %dma_wait3A_494] : memref<800x8x128xf32, #tpu.memory_space<vmem>> -> memref<800x1x128xf32, #tpu.memory_space<vmem>>
    %dma_wait3A_496 = tpu.memref_squeeze %dma_wait3A_495 : memref<800x1x128xf32, #tpu.memory_space<vmem>> -> memref<800x128xf32, #tpu.memory_space<vmem>>
    %dma_wait3A_497 = arith.constant 0 : i32
    %dma_wait3A_498 = arith.constant 0 : i32
    %dma_wait3A_499 = tpu.memref_slice %arg22[%dma_wait3A_491, %dma_wait3A_497, %dma_wait3A_498] : memref<8x800x128xf32, #tpu.memory_space<vmem>> -> memref<1x800x128xf32, #tpu.memory_space<vmem>>
    %dma_wait3A_500 = tpu.memref_squeeze %dma_wait3A_499 : memref<1x800x128xf32, #tpu.memory_space<vmem>> -> memref<800x128xf32, #tpu.memory_space<vmem>>
    tpu.wait_dma2 semaphore(%arg25 : memref<!tpu.dma_semaphore, #tpu.memory_space<semaphore_mem>>) src(%dma_wait3A_500 : memref<800x128xf32, #tpu.memory_space<vmem>>) dst(%dma_wait3A_496 : memref<800x128xf32, #tpu.memory_space<vmem>>)
    %dma_wait3A_501 = arith.constant 6 : i32
    %dma_wait3A_502 = arith.constant 6 : i32
    %dma_wait3A_503 = arith.constant 0 : i32
    %dma_wait3A_504 = arith.constant 0 : i32
    %dma_wait3A_505 = tpu.memref_slice %arg23[%dma_wait3A_503, %dma_wait3A_502, %dma_wait3A_504] : memref<800x8x128xf32, #tpu.memory_space<vmem>> -> memref<800x1x128xf32, #tpu.memory_space<vmem>>
    %dma_wait3A_506 = tpu.memref_squeeze %dma_wait3A_505 : memref<800x1x128xf32, #tpu.memory_space<vmem>> -> memref<800x128xf32, #tpu.memory_space<vmem>>
    %dma_wait3A_507 = arith.constant 0 : i32
    %dma_wait3A_508 = arith.constant 0 : i32
    %dma_wait3A_509 = tpu.memref_slice %arg22[%dma_wait3A_501, %dma_wait3A_507, %dma_wait3A_508] : memref<8x800x128xf32, #tpu.memory_space<vmem>> -> memref<1x800x128xf32, #tpu.memory_space<vmem>>
    %dma_wait3A_510 = tpu.memref_squeeze %dma_wait3A_509 : memref<1x800x128xf32, #tpu.memory_space<vmem>> -> memref<800x128xf32, #tpu.memory_space<vmem>>
    tpu.wait_dma2 semaphore(%arg25 : memref<!tpu.dma_semaphore, #tpu.memory_space<semaphore_mem>>) src(%dma_wait3A_510 : memref<800x128xf32, #tpu.memory_space<vmem>>) dst(%dma_wait3A_506 : memref<800x128xf32, #tpu.memory_space<vmem>>)
    %dma_wait3A_511 = arith.constant 7 : i32
    %dma_wait3A_512 = arith.constant 7 : i32
    %dma_wait3A_513 = arith.constant 0 : i32
    %dma_wait3A_514 = arith.constant 0 : i32
    %dma_wait3A_515 = tpu.memref_slice %arg23[%dma_wait3A_513, %dma_wait3A_512, %dma_wait3A_514] : memref<800x8x128xf32, #tpu.memory_space<vmem>> -> memref<800x1x128xf32, #tpu.memory_space<vmem>>
    %dma_wait3A_516 = tpu.memref_squeeze %dma_wait3A_515 : memref<800x1x128xf32, #tpu.memory_space<vmem>> -> memref<800x128xf32, #tpu.memory_space<vmem>>
    %dma_wait3A_517 = arith.constant 0 : i32
    %dma_wait3A_518 = arith.constant 0 : i32
    %dma_wait3A_519 = tpu.memref_slice %arg22[%dma_wait3A_511, %dma_wait3A_517, %dma_wait3A_518] : memref<8x800x128xf32, #tpu.memory_space<vmem>> -> memref<1x800x128xf32, #tpu.memory_space<vmem>>
    %dma_wait3A_520 = tpu.memref_squeeze %dma_wait3A_519 : memref<1x800x128xf32, #tpu.memory_space<vmem>> -> memref<800x128xf32, #tpu.memory_space<vmem>>
    tpu.wait_dma2 semaphore(%arg25 : memref<!tpu.dma_semaphore, #tpu.memory_space<semaphore_mem>>) src(%dma_wait3A_520 : memref<800x128xf32, #tpu.memory_space<vmem>>) dst(%dma_wait3A_516 : memref<800x128xf32, #tpu.memory_space<vmem>>)
    %scan3A = arith.constant 0 : i32
    %scan3A_521 = arith.constant 800 : i32
    %scan3A_522 = arith.addi %scan3A, %scan3A_521 : i32
    %scan3A_523 = arith.constant 8 : i32
    scf.for %scan3A_530 = %scan3A to %scan3A_522 step %scan3A_523  : i32 {
      %get3A_531 = arith.constant 0 : index
      %get3A_532 = arith.constant 0 : index
      %get3A_533 = arith.index_cast %scan3A_530 : i32 to index
      %get3A_534 = memref.load %arg6[%get3A_531, %get3A_532, %get3A_533] : memref<1x1x800xi32, #tpu.memory_space<smem>>
      %get3A_535 = arith.index_cast %get3A_534 : i32 to index
      %get3A_536 = arith.constant 0 : index
      %get3A_537 = arith.constant 0 : index
      %get3A_538 = vector.load %arg20[%get3A_535, %get3A_536, %get3A_537] : memref<10000x8x128xf32, #tpu.memory_space<vmem>>, vector<1x8x128xf32>
      %get3A_539 = vector.shape_cast %get3A_538 : vector<1x8x128xf32> to vector<8x128xf32>
      %get3A_540 = arith.index_cast %scan3A_530 : i32 to index
      %get3A_541 = arith.constant 0 : index
      %get3A_542 = arith.constant 0 : index
      %get3A_543 = vector.load %arg23[%get3A_540, %get3A_541, %get3A_542] : memref<800x8x128xf32, #tpu.memory_space<vmem>>, vector<1x8x128xf32>
      %get3A_544 = vector.shape_cast %get3A_543 : vector<1x8x128xf32> to vector<8x128xf32>
      %add3A_545 = arith.addf %get3A_539, %get3A_544 : vector<8x128xf32>
      %swap3A_546 = arith.index_cast %get3A_534 : i32 to index
      %swap3A_547 = arith.constant 0 : index
      %swap3A_548 = arith.constant 0 : index
      %swap3A_549 = vector.load %arg20[%swap3A_546, %swap3A_547, %swap3A_548] : memref<10000x8x128xf32, #tpu.memory_space<vmem>>, vector<1x8x128xf32>
      %swap3A_550 = vector.shape_cast %swap3A_549 : vector<1x8x128xf32> to vector<8x128xf32>
      %swap3A_551 = vector.shape_cast %add3A_545 : vector<8x128xf32> to vector<1x8x128xf32>
      tpu.vector_store %arg20[%swap3A_546, %swap3A_547, %swap3A_548], %swap3A_551 {strides = array<i32>} : memref<10000x8x128xf32, #tpu.memory_space<vmem>>, vector<1x8x128xf32>,
      %get3A_552 = arith.index_cast %get3A_534 : i32 to index
      %get3A_553 = arith.constant 0 : index
      %get3A_554 = vector.load %arg21[%get3A_552, %get3A_553] : memref<10000x128xf32, #tpu.memory_space<vmem>>, vector<1x128xf32>
      %get3A_555 = vector.shape_cast %get3A_554 : vector<1x128xf32> to vector<128xf32>
      %get3A_556 = arith.index_cast %scan3A_530 : i32 to index
      %get3A_557 = arith.constant 0 : index
      %get3A_558 = vector.load %arg24[%get3A_556, %get3A_557] : memref<800x128xf32, #tpu.memory_space<vmem>>, vector<1x128xf32>
      %get3A_559 = vector.shape_cast %get3A_558 : vector<1x128xf32> to vector<128xf32>
      %add3A_560 = arith.addf %get3A_555, %get3A_559 : vector<128xf32>
      %swap3A_561 = arith.index_cast %get3A_534 : i32 to index
      %swap3A_562 = arith.constant 0 : index
      %swap3A_563 = vector.load %arg21[%swap3A_561, %swap3A_562] : memref<10000x128xf32, #tpu.memory_space<vmem>>, vector<1x128xf32>
      %swap3A_564 = vector.shape_cast %swap3A_563 : vector<1x128xf32> to vector<128xf32>
      %swap3A_565 = vector.shape_cast %add3A_560 : vector<128xf32> to vector<1x128xf32>
      tpu.vector_store %arg21[%swap3A_561, %swap3A_562], %swap3A_565 {strides = array<i32>} : memref<10000x128xf32, #tpu.memory_space<vmem>>, vector<1x128xf32>,
      %scan3A_566 = arith.constant 1 : i32
      %scan3A_567 = arith.addi %scan3A_530, %scan3A_566 : i32
      %get3A_568 = arith.constant 0 : index
      %get3A_569 = arith.constant 0 : index
      %get3A_570 = arith.index_cast %scan3A_567 : i32 to index
      %get3A_571 = memref.load %arg6[%get3A_568, %get3A_569, %get3A_570] : memref<1x1x800xi32, #tpu.memory_space<smem>>
      %get3A_572 = arith.index_cast %get3A_571 : i32 to index
      %get3A_573 = arith.constant 0 : index
      %get3A_574 = arith.constant 0 : index
      %get3A_575 = vector.load %arg20[%get3A_572, %get3A_573, %get3A_574] : memref<10000x8x128xf32, #tpu.memory_space<vmem>>, vector<1x8x128xf32>
      %get3A_576 = vector.shape_cast %get3A_575 : vector<1x8x128xf32> to vector<8x128xf32>
      %get3A_577 = arith.index_cast %scan3A_567 : i32 to index
      %get3A_578 = arith.constant 0 : index
      %get3A_579 = arith.constant 0 : index
      %get3A_580 = vector.load %arg23[%get3A_577, %get3A_578, %get3A_579] : memref<800x8x128xf32, #tpu.memory_space<vmem>>, vector<1x8x128xf32>
      %get3A_581 = vector.shape_cast %get3A_580 : vector<1x8x128xf32> to vector<8x128xf32>
      %add3A_582 = arith.addf %get3A_576, %get3A_581 : vector<8x128xf32>
      %swap3A_583 = arith.index_cast %get3A_571 : i32 to index
      %swap3A_584 = arith.constant 0 : index
      %swap3A_585 = arith.constant 0 : index
      %swap3A_586 = vector.load %arg20[%swap3A_583, %swap3A_584, %swap3A_585] : memref<10000x8x128xf32, #tpu.memory_space<vmem>>, vector<1x8x128xf32>
      %swap3A_587 = vector.shape_cast %swap3A_586 : vector<1x8x128xf32> to vector<8x128xf32>
      %swap3A_588 = vector.shape_cast %add3A_582 : vector<8x128xf32> to vector<1x8x128xf32>
      tpu.vector_store %arg20[%swap3A_583, %swap3A_584, %swap3A_585], %swap3A_588 {strides = array<i32>} : memref<10000x8x128xf32, #tpu.memory_space<vmem>>, vector<1x8x128xf32>,
      %get3A_589 = arith.index_cast %get3A_571 : i32 to index
      %get3A_590 = arith.constant 0 : index
      %get3A_591 = vector.load %arg21[%get3A_589, %get3A_590] : memref<10000x128xf32, #tpu.memory_space<vmem>>, vector<1x128xf32>
      %get3A_592 = vector.shape_cast %get3A_591 : vector<1x128xf32> to vector<128xf32>
      %get3A_593 = arith.index_cast %scan3A_567 : i32 to index
      %get3A_594 = arith.constant 0 : index
      %get3A_595 = vector.load %arg24[%get3A_593, %get3A_594] : memref<800x128xf32, #tpu.memory_space<vmem>>, vector<1x128xf32>
      %get3A_596 = vector.shape_cast %get3A_595 : vector<1x128xf32> to vector<128xf32>
      %add3A_597 = arith.addf %get3A_592, %get3A_596 : vector<128xf32>
      %swap3A_598 = arith.index_cast %get3A_571 : i32 to index
      %swap3A_599 = arith.constant 0 : index
      %swap3A_600 = vector.load %arg21[%swap3A_598, %swap3A_599] : memref<10000x128xf32, #tpu.memory_space<vmem>>, vector<1x128xf32>
      %swap3A_601 = vector.shape_cast %swap3A_600 : vector<1x128xf32> to vector<128xf32>
      %swap3A_602 = vector.shape_cast %add3A_597 : vector<128xf32> to vector<1x128xf32>
      tpu.vector_store %arg21[%swap3A_598, %swap3A_599], %swap3A_602 {strides = array<i32>} : memref<10000x128xf32, #tpu.memory_space<vmem>>, vector<1x128xf32>,
      %scan3A_603 = arith.constant 2 : i32
      %scan3A_604 = arith.addi %scan3A_530, %scan3A_603 : i32
      %get3A_605 = arith.constant 0 : index
      %get3A_606 = arith.constant 0 : index
      %get3A_607 = arith.index_cast %scan3A_604 : i32 to index
      %get3A_608 = memref.load %arg6[%get3A_605, %get3A_606, %get3A_607] : memref<1x1x800xi32, #tpu.memory_space<smem>>
      %get3A_609 = arith.index_cast %get3A_608 : i32 to index
      %get3A_610 = arith.constant 0 : index
      %get3A_611 = arith.constant 0 : index
      %get3A_612 = vector.load %arg20[%get3A_609, %get3A_610, %get3A_611] : memref<10000x8x128xf32, #tpu.memory_space<vmem>>, vector<1x8x128xf32>
      %get3A_613 = vector.shape_cast %get3A_612 : vector<1x8x128xf32> to vector<8x128xf32>
      %get3A_614 = arith.index_cast %scan3A_604 : i32 to index
      %get3A_615 = arith.constant 0 : index
      %get3A_616 = arith.constant 0 : index
      %get3A_617 = vector.load %arg23[%get3A_614, %get3A_615, %get3A_616] : memref<800x8x128xf32, #tpu.memory_space<vmem>>, vector<1x8x128xf32>
      %get3A_618 = vector.shape_cast %get3A_617 : vector<1x8x128xf32> to vector<8x128xf32>
      %add3A_619 = arith.addf %get3A_613, %get3A_618 : vector<8x128xf32>
      %swap3A_620 = arith.index_cast %get3A_608 : i32 to index
      %swap3A_621 = arith.constant 0 : index
      %swap3A_622 = arith.constant 0 : index
      %swap3A_623 = vector.load %arg20[%swap3A_620, %swap3A_621, %swap3A_622] : memref<10000x8x128xf32, #tpu.memory_space<vmem>>, vector<1x8x128xf32>
      %swap3A_624 = vector.shape_cast %swap3A_623 : vector<1x8x128xf32> to vector<8x128xf32>
      %swap3A_625 = vector.shape_cast %add3A_619 : vector<8x128xf32> to vector<1x8x128xf32>
      tpu.vector_store %arg20[%swap3A_620, %swap3A_621, %swap3A_622], %swap3A_625 {strides = array<i32>} : memref<10000x8x128xf32, #tpu.memory_space<vmem>>, vector<1x8x128xf32>,
      %get3A_626 = arith.index_cast %get3A_608 : i32 to index
      %get3A_627 = arith.constant 0 : index
      %get3A_628 = vector.load %arg21[%get3A_626, %get3A_627] : memref<10000x128xf32, #tpu.memory_space<vmem>>, vector<1x128xf32>
      %get3A_629 = vector.shape_cast %get3A_628 : vector<1x128xf32> to vector<128xf32>
      %get3A_630 = arith.index_cast %scan3A_604 : i32 to index
      %get3A_631 = arith.constant 0 : index
      %get3A_632 = vector.load %arg24[%get3A_630, %get3A_631] : memref<800x128xf32, #tpu.memory_space<vmem>>, vector<1x128xf32>
      %get3A_633 = vector.shape_cast %get3A_632 : vector<1x128xf32> to vector<128xf32>
      %add3A_634 = arith.addf %get3A_629, %get3A_633 : vector<128xf32>
      %swap3A_635 = arith.index_cast %get3A_608 : i32 to index
      %swap3A_636 = arith.constant 0 : index
      %swap3A_637 = vector.load %arg21[%swap3A_635, %swap3A_636] : memref<10000x128xf32, #tpu.memory_space<vmem>>, vector<1x128xf32>
      %swap3A_638 = vector.shape_cast %swap3A_637 : vector<1x128xf32> to vector<128xf32>
      %swap3A_639 = vector.shape_cast %add3A_634 : vector<128xf32> to vector<1x128xf32>
      tpu.vector_store %arg21[%swap3A_635, %swap3A_636], %swap3A_639 {strides = array<i32>} : memref<10000x128xf32, #tpu.memory_space<vmem>>, vector<1x128xf32>,
      %scan3A_640 = arith.constant 3 : i32
      %scan3A_641 = arith.addi %scan3A_530, %scan3A_640 : i32
      %get3A_642 = arith.constant 0 : index
      %get3A_643 = arith.constant 0 : index
      %get3A_644 = arith.index_cast %scan3A_641 : i32 to index
      %get3A_645 = memref.load %arg6[%get3A_642, %get3A_643, %get3A_644] : memref<1x1x800xi32, #tpu.memory_space<smem>>
      %get3A_646 = arith.index_cast %get3A_645 : i32 to index
      %get3A_647 = arith.constant 0 : index
      %get3A_648 = arith.constant 0 : index
      %get3A_649 = vector.load %arg20[%get3A_646, %get3A_647, %get3A_648] : memref<10000x8x128xf32, #tpu.memory_space<vmem>>, vector<1x8x128xf32>
      %get3A_650 = vector.shape_cast %get3A_649 : vector<1x8x128xf32> to vector<8x128xf32>
      %get3A_651 = arith.index_cast %scan3A_641 : i32 to index
      %get3A_652 = arith.constant 0 : index
      %get3A_653 = arith.constant 0 : index
      %get3A_654 = vector.load %arg23[%get3A_651, %get3A_652, %get3A_653] : memref<800x8x128xf32, #tpu.memory_space<vmem>>, vector<1x8x128xf32>
      %get3A_655 = vector.shape_cast %get3A_654 : vector<1x8x128xf32> to vector<8x128xf32>
      %add3A_656 = arith.addf %get3A_650, %get3A_655 : vector<8x128xf32>
      %swap3A_657 = arith.index_cast %get3A_645 : i32 to index
      %swap3A_658 = arith.constant 0 : index
      %swap3A_659 = arith.constant 0 : index
      %swap3A_660 = vector.load %arg20[%swap3A_657, %swap3A_658, %swap3A_659] : memref<10000x8x128xf32, #tpu.memory_space<vmem>>, vector<1x8x128xf32>
      %swap3A_661 = vector.shape_cast %swap3A_660 : vector<1x8x128xf32> to vector<8x128xf32>
      %swap3A_662 = vector.shape_cast %add3A_656 : vector<8x128xf32> to vector<1x8x128xf32>
      tpu.vector_store %arg20[%swap3A_657, %swap3A_658, %swap3A_659], %swap3A_662 {strides = array<i32>} : memref<10000x8x128xf32, #tpu.memory_space<vmem>>, vector<1x8x128xf32>,
      %get3A_663 = arith.index_cast %get3A_645 : i32 to index
      %get3A_664 = arith.constant 0 : index
      %get3A_665 = vector.load %arg21[%get3A_663, %get3A_664] : memref<10000x128xf32, #tpu.memory_space<vmem>>, vector<1x128xf32>
      %get3A_666 = vector.shape_cast %get3A_665 : vector<1x128xf32> to vector<128xf32>
      %get3A_667 = arith.index_cast %scan3A_641 : i32 to index
      %get3A_668 = arith.constant 0 : index
      %get3A_669 = vector.load %arg24[%get3A_667, %get3A_668] : memref<800x128xf32, #tpu.memory_space<vmem>>, vector<1x128xf32>
      %get3A_670 = vector.shape_cast %get3A_669 : vector<1x128xf32> to vector<128xf32>
      %add3A_671 = arith.addf %get3A_666, %get3A_670 : vector<128xf32>
      %swap3A_672 = arith.index_cast %get3A_645 : i32 to index
      %swap3A_673 = arith.constant 0 : index
      %swap3A_674 = vector.load %arg21[%swap3A_672, %swap3A_673] : memref<10000x128xf32, #tpu.memory_space<vmem>>, vector<1x128xf32>
      %swap3A_675 = vector.shape_cast %swap3A_674 : vector<1x128xf32> to vector<128xf32>
      %swap3A_676 = vector.shape_cast %add3A_671 : vector<128xf32> to vector<1x128xf32>
      tpu.vector_store %arg21[%swap3A_672, %swap3A_673], %swap3A_676 {strides = array<i32>} : memref<10000x128xf32, #tpu.memory_space<vmem>>, vector<1x128xf32>,
      %scan3A_677 = arith.constant 4 : i32
      %scan3A_678 = arith.addi %scan3A_530, %scan3A_677 : i32
      %get3A_679 = arith.constant 0 : index
      %get3A_680 = arith.constant 0 : index
      %get3A_681 = arith.index_cast %scan3A_678 : i32 to index
      %get3A_682 = memref.load %arg6[%get3A_679, %get3A_680, %get3A_681] : memref<1x1x800xi32, #tpu.memory_space<smem>>
      %get3A_683 = arith.index_cast %get3A_682 : i32 to index
      %get3A_684 = arith.constant 0 : index
      %get3A_685 = arith.constant 0 : index
      %get3A_686 = vector.load %arg20[%get3A_683, %get3A_684, %get3A_685] : memref<10000x8x128xf32, #tpu.memory_space<vmem>>, vector<1x8x128xf32>
      %get3A_687 = vector.shape_cast %get3A_686 : vector<1x8x128xf32> to vector<8x128xf32>
      %get3A_688 = arith.index_cast %scan3A_678 : i32 to index
      %get3A_689 = arith.constant 0 : index
      %get3A_690 = arith.constant 0 : index
      %get3A_691 = vector.load %arg23[%get3A_688, %get3A_689, %get3A_690] : memref<800x8x128xf32, #tpu.memory_space<vmem>>, vector<1x8x128xf32>
      %get3A_692 = vector.shape_cast %get3A_691 : vector<1x8x128xf32> to vector<8x128xf32>
      %add3A_693 = arith.addf %get3A_687, %get3A_692 : vector<8x128xf32>
      %swap3A_694 = arith.index_cast %get3A_682 : i32 to index
      %swap3A_695 = arith.constant 0 : index
      %swap3A_696 = arith.constant 0 : index
      %swap3A_697 = vector.load %arg20[%swap3A_694, %swap3A_695, %swap3A_696] : memref<10000x8x128xf32, #tpu.memory_space<vmem>>, vector<1x8x128xf32>
      %swap3A_698 = vector.shape_cast %swap3A_697 : vector<1x8x128xf32> to vector<8x128xf32>
      %swap3A_699 = vector.shape_cast %add3A_693 : vector<8x128xf32> to vector<1x8x128xf32>
      tpu.vector_store %arg20[%swap3A_694, %swap3A_695, %swap3A_696], %swap3A_699 {strides = array<i32>} : memref<10000x8x128xf32, #tpu.memory_space<vmem>>, vector<1x8x128xf32>,
      %get3A_700 = arith.index_cast %get3A_682 : i32 to index
      %get3A_701 = arith.constant 0 : index
      %get3A_702 = vector.load %arg21[%get3A_700, %get3A_701] : memref<10000x128xf32, #tpu.memory_space<vmem>>, vector<1x128xf32>
      %get3A_703 = vector.shape_cast %get3A_702 : vector<1x128xf32> to vector<128xf32>
      %get3A_704 = arith.index_cast %scan3A_678 : i32 to index
      %get3A_705 = arith.constant 0 : index
      %get3A_706 = vector.load %arg24[%get3A_704, %get3A_705] : memref<800x128xf32, #tpu.memory_space<vmem>>, vector<1x128xf32>
      %get3A_707 = vector.shape_cast %get3A_706 : vector<1x128xf32> to vector<128xf32>
      %add3A_708 = arith.addf %get3A_703, %get3A_707 : vector<128xf32>
      %swap3A_709 = arith.index_cast %get3A_682 : i32 to index
      %swap3A_710 = arith.constant 0 : index
      %swap3A_711 = vector.load %arg21[%swap3A_709, %swap3A_710] : memref<10000x128xf32, #tpu.memory_space<vmem>>, vector<1x128xf32>
      %swap3A_712 = vector.shape_cast %swap3A_711 : vector<1x128xf32> to vector<128xf32>
      %swap3A_713 = vector.shape_cast %add3A_708 : vector<128xf32> to vector<1x128xf32>
      tpu.vector_store %arg21[%swap3A_709, %swap3A_710], %swap3A_713 {strides = array<i32>} : memref<10000x128xf32, #tpu.memory_space<vmem>>, vector<1x128xf32>,
      %scan3A_714 = arith.constant 5 : i32
      %scan3A_715 = arith.addi %scan3A_530, %scan3A_714 : i32
      %get3A_716 = arith.constant 0 : index
      %get3A_717 = arith.constant 0 : index
      %get3A_718 = arith.index_cast %scan3A_715 : i32 to index
      %get3A_719 = memref.load %arg6[%get3A_716, %get3A_717, %get3A_718] : memref<1x1x800xi32, #tpu.memory_space<smem>>
      %get3A_720 = arith.index_cast %get3A_719 : i32 to index
      %get3A_721 = arith.constant 0 : index
      %get3A_722 = arith.constant 0 : index
      %get3A_723 = vector.load %arg20[%get3A_720, %get3A_721, %get3A_722] : memref<10000x8x128xf32, #tpu.memory_space<vmem>>, vector<1x8x128xf32>
      %get3A_724 = vector.shape_cast %get3A_723 : vector<1x8x128xf32> to vector<8x128xf32>
      %get3A_725 = arith.index_cast %scan3A_715 : i32 to index
      %get3A_726 = arith.constant 0 : index
      %get3A_727 = arith.constant 0 : index
      %get3A_728 = vector.load %arg23[%get3A_725, %get3A_726, %get3A_727] : memref<800x8x128xf32, #tpu.memory_space<vmem>>, vector<1x8x128xf32>
      %get3A_729 = vector.shape_cast %get3A_728 : vector<1x8x128xf32> to vector<8x128xf32>
      %add3A_730 = arith.addf %get3A_724, %get3A_729 : vector<8x128xf32>
      %swap3A_731 = arith.index_cast %get3A_719 : i32 to index
      %swap3A_732 = arith.constant 0 : index
      %swap3A_733 = arith.constant 0 : index
      %swap3A_734 = vector.load %arg20[%swap3A_731, %swap3A_732, %swap3A_733] : memref<10000x8x128xf32, #tpu.memory_space<vmem>>, vector<1x8x128xf32>
      %swap3A_735 = vector.shape_cast %swap3A_734 : vector<1x8x128xf32> to vector<8x128xf32>
      %swap3A_736 = vector.shape_cast %add3A_730 : vector<8x128xf32> to vector<1x8x128xf32>
      tpu.vector_store %arg20[%swap3A_731, %swap3A_732, %swap3A_733], %swap3A_736 {strides = array<i32>} : memref<10000x8x128xf32, #tpu.memory_space<vmem>>, vector<1x8x128xf32>,
      %get3A_737 = arith.index_cast %get3A_719 : i32 to index
      %get3A_738 = arith.constant 0 : index
      %get3A_739 = vector.load %arg21[%get3A_737, %get3A_738] : memref<10000x128xf32, #tpu.memory_space<vmem>>, vector<1x128xf32>
      %get3A_740 = vector.shape_cast %get3A_739 : vector<1x128xf32> to vector<128xf32>
      %get3A_741 = arith.index_cast %scan3A_715 : i32 to index
      %get3A_742 = arith.constant 0 : index
      %get3A_743 = vector.load %arg24[%get3A_741, %get3A_742] : memref<800x128xf32, #tpu.memory_space<vmem>>, vector<1x128xf32>
      %get3A_744 = vector.shape_cast %get3A_743 : vector<1x128xf32> to vector<128xf32>
      %add3A_745 = arith.addf %get3A_740, %get3A_744 : vector<128xf32>
      %swap3A_746 = arith.index_cast %get3A_719 : i32 to index
      %swap3A_747 = arith.constant 0 : index
      %swap3A_748 = vector.load %arg21[%swap3A_746, %swap3A_747] : memref<10000x128xf32, #tpu.memory_space<vmem>>, vector<1x128xf32>
      %swap3A_749 = vector.shape_cast %swap3A_748 : vector<1x128xf32> to vector<128xf32>
      %swap3A_750 = vector.shape_cast %add3A_745 : vector<128xf32> to vector<1x128xf32>
      tpu.vector_store %arg21[%swap3A_746, %swap3A_747], %swap3A_750 {strides = array<i32>} : memref<10000x128xf32, #tpu.memory_space<vmem>>, vector<1x128xf32>,
      %scan3A_751 = arith.constant 6 : i32
      %scan3A_752 = arith.addi %scan3A_530, %scan3A_751 : i32
      %get3A_753 = arith.constant 0 : index
      %get3A_754 = arith.constant 0 : index
      %get3A_755 = arith.index_cast %scan3A_752 : i32 to index
      %get3A_756 = memref.load %arg6[%get3A_753, %get3A_754, %get3A_755] : memref<1x1x800xi32, #tpu.memory_space<smem>>
      %get3A_757 = arith.index_cast %get3A_756 : i32 to index
      %get3A_758 = arith.constant 0 : index
      %get3A_759 = arith.constant 0 : index
      %get3A_760 = vector.load %arg20[%get3A_757, %get3A_758, %get3A_759] : memref<10000x8x128xf32, #tpu.memory_space<vmem>>, vector<1x8x128xf32>
      %get3A_761 = vector.shape_cast %get3A_760 : vector<1x8x128xf32> to vector<8x128xf32>
      %get3A_762 = arith.index_cast %scan3A_752 : i32 to index
      %get3A_763 = arith.constant 0 : index
      %get3A_764 = arith.constant 0 : index
      %get3A_765 = vector.load %arg23[%get3A_762, %get3A_763, %get3A_764] : memref<800x8x128xf32, #tpu.memory_space<vmem>>, vector<1x8x128xf32>
      %get3A_766 = vector.shape_cast %get3A_765 : vector<1x8x128xf32> to vector<8x128xf32>
      %add3A_767 = arith.addf %get3A_761, %get3A_766 : vector<8x128xf32>
      %swap3A_768 = arith.index_cast %get3A_756 : i32 to index
      %swap3A_769 = arith.constant 0 : index
      %swap3A_770 = arith.constant 0 : index
      %swap3A_771 = vector.load %arg20[%swap3A_768, %swap3A_769, %swap3A_770] : memref<10000x8x128xf32, #tpu.memory_space<vmem>>, vector<1x8x128xf32>
      %swap3A_772 = vector.shape_cast %swap3A_771 : vector<1x8x128xf32> to vector<8x128xf32>
      %swap3A_773 = vector.shape_cast %add3A_767 : vector<8x128xf32> to vector<1x8x128xf32>
      tpu.vector_store %arg20[%swap3A_768, %swap3A_769, %swap3A_770], %swap3A_773 {strides = array<i32>} : memref<10000x8x128xf32, #tpu.memory_space<vmem>>, vector<1x8x128xf32>,
      %get3A_774 = arith.index_cast %get3A_756 : i32 to index
      %get3A_775 = arith.constant 0 : index
      %get3A_776 = vector.load %arg21[%get3A_774, %get3A_775] : memref<10000x128xf32, #tpu.memory_space<vmem>>, vector<1x128xf32>
      %get3A_777 = vector.shape_cast %get3A_776 : vector<1x128xf32> to vector<128xf32>
      %get3A_778 = arith.index_cast %scan3A_752 : i32 to index
      %get3A_779 = arith.constant 0 : index
      %get3A_780 = vector.load %arg24[%get3A_778, %get3A_779] : memref<800x128xf32, #tpu.memory_space<vmem>>, vector<1x128xf32>
      %get3A_781 = vector.shape_cast %get3A_780 : vector<1x128xf32> to vector<128xf32>
      %add3A_782 = arith.addf %get3A_777, %get3A_781 : vector<128xf32>
      %swap3A_783 = arith.index_cast %get3A_756 : i32 to index
      %swap3A_784 = arith.constant 0 : index
      %swap3A_785 = vector.load %arg21[%swap3A_783, %swap3A_784] : memref<10000x128xf32, #tpu.memory_space<vmem>>, vector<1x128xf32>
      %swap3A_786 = vector.shape_cast %swap3A_785 : vector<1x128xf32> to vector<128xf32>
      %swap3A_787 = vector.shape_cast %add3A_782 : vector<128xf32> to vector<1x128xf32>
      tpu.vector_store %arg21[%swap3A_783, %swap3A_784], %swap3A_787 {strides = array<i32>} : memref<10000x128xf32, #tpu.memory_space<vmem>>, vector<1x128xf32>,
      %scan3A_788 = arith.constant 7 : i32
      %scan3A_789 = arith.addi %scan3A_530, %scan3A_788 : i32
      %get3A_790 = arith.constant 0 : index
      %get3A_791 = arith.constant 0 : index
      %get3A_792 = arith.index_cast %scan3A_789 : i32 to index
      %get3A_793 = memref.load %arg6[%get3A_790, %get3A_791, %get3A_792] : memref<1x1x800xi32, #tpu.memory_space<smem>>
      %get3A_794 = arith.index_cast %get3A_793 : i32 to index
      %get3A_795 = arith.constant 0 : index
      %get3A_796 = arith.constant 0 : index
      %get3A_797 = vector.load %arg20[%get3A_794, %get3A_795, %get3A_796] : memref<10000x8x128xf32, #tpu.memory_space<vmem>>, vector<1x8x128xf32>
      %get3A_798 = vector.shape_cast %get3A_797 : vector<1x8x128xf32> to vector<8x128xf32>
      %get3A_799 = arith.index_cast %scan3A_789 : i32 to index
      %get3A_800 = arith.constant 0 : index
      %get3A_801 = arith.constant 0 : index
      %get3A_802 = vector.load %arg23[%get3A_799, %get3A_800, %get3A_801] : memref<800x8x128xf32, #tpu.memory_space<vmem>>, vector<1x8x128xf32>
      %get3A_803 = vector.shape_cast %get3A_802 : vector<1x8x128xf32> to vector<8x128xf32>
      %add3A_804 = arith.addf %get3A_798, %get3A_803 : vector<8x128xf32>
      %swap3A_805 = arith.index_cast %get3A_793 : i32 to index
      %swap3A_806 = arith.constant 0 : index
      %swap3A_807 = arith.constant 0 : index
      %swap3A_808 = vector.load %arg20[%swap3A_805, %swap3A_806, %swap3A_807] : memref<10000x8x128xf32, #tpu.memory_space<vmem>>, vector<1x8x128xf32>
      %swap3A_809 = vector.shape_cast %swap3A_808 : vector<1x8x128xf32> to vector<8x128xf32>
      %swap3A_810 = vector.shape_cast %add3A_804 : vector<8x128xf32> to vector<1x8x128xf32>
      tpu.vector_store %arg20[%swap3A_805, %swap3A_806, %swap3A_807], %swap3A_810 {strides = array<i32>} : memref<10000x8x128xf32, #tpu.memory_space<vmem>>, vector<1x8x128xf32>,
      %get3A_811 = arith.index_cast %get3A_793 : i32 to index
      %get3A_812 = arith.constant 0 : index
      %get3A_813 = vector.load %arg21[%get3A_811, %get3A_812] : memref<10000x128xf32, #tpu.memory_space<vmem>>, vector<1x128xf32>
      %get3A_814 = vector.shape_cast %get3A_813 : vector<1x128xf32> to vector<128xf32>
      %get3A_815 = arith.index_cast %scan3A_789 : i32 to index
      %get3A_816 = arith.constant 0 : index
      %get3A_817 = vector.load %arg24[%get3A_815, %get3A_816] : memref<800x128xf32, #tpu.memory_space<vmem>>, vector<1x128xf32>
      %get3A_818 = vector.shape_cast %get3A_817 : vector<1x128xf32> to vector<128xf32>
      %add3A_819 = arith.addf %get3A_814, %get3A_818 : vector<128xf32>
      %swap3A_820 = arith.index_cast %get3A_793 : i32 to index
      %swap3A_821 = arith.constant 0 : index
      %swap3A_822 = vector.load %arg21[%swap3A_820, %swap3A_821] : memref<10000x128xf32, #tpu.memory_space<vmem>>, vector<1x128xf32>
      %swap3A_823 = vector.shape_cast %swap3A_822 : vector<1x128xf32> to vector<128xf32>
      %swap3A_824 = vector.shape_cast %add3A_819 : vector<128xf32> to vector<1x128xf32>
      tpu.vector_store %arg21[%swap3A_820, %swap3A_821], %swap3A_824 {strides = array<i32>} : memref<10000x128xf32, #tpu.memory_space<vmem>>, vector<1x128xf32>,
    }
    %scan3A_524 = arith.constant 800 : i32
    %eq3A_525 = arith.constant 199 : i32
    %eq3A_526 = arith.cmpi eq, %arg0, %eq3A_525 : i32
    %convert_element_type3A_527 = arith.extui %eq3A_526 : i1 to i32
    %cond3A_528 = arith.constant 0 : i32
    %cond3A_529 = arith.cmpi ne, %convert_element_type3A_527, %cond3A_528 : i32
    scf.if %cond3A_529 {
      %dma_start3A_530 = arith.constant 0 : i32
      %dma_start3A_531 = arith.constant 0 : i32
      %dma_start3A_532 = arith.constant 0 : i32
      %dma_start3A_533 = tpu.memref_slice %arg19[%dma_start3A_530, %dma_start3A_531, %dma_start3A_532] : memref<10000x9x128xf32, #tpu.memory_space<hbm>> -> memref<10000x8x128xf32, #tpu.memory_space<hbm>>
      tpu.enqueue_dma source(%arg20 : memref<10000x8x128xf32, #tpu.memory_space<vmem>>) target(%dma_start3A_533 : memref<10000x8x128xf32, #tpu.memory_space<hbm>>) target_semaphore(%arg25 : memref<!tpu.dma_semaphore, #tpu.memory_space<semaphore_mem>>)
      %dma_wait3A_534 = arith.constant 0 : i32
      %dma_wait3A_535 = arith.constant 0 : i32
      %dma_wait3A_536 = arith.constant 0 : i32
      %dma_wait3A_537 = tpu.memref_slice %arg19[%dma_wait3A_534, %dma_wait3A_535, %dma_wait3A_536] : memref<10000x9x128xf32, #tpu.memory_space<hbm>> -> memref<10000x8x128xf32, #tpu.memory_space<hbm>>
      tpu.wait_dma2 semaphore(%arg25 : memref<!tpu.dma_semaphore, #tpu.memory_space<semaphore_mem>>) src(%arg20 : memref<10000x8x128xf32, #tpu.memory_space<vmem>>) dst(%dma_wait3A_537 : memref<10000x8x128xf32, #tpu.memory_space<hbm>>)
      %dma_start3A_538 = arith.constant 8 : i32
      %dma_start3A_539 = arith.constant 0 : i32
      %dma_start3A_540 = arith.constant 0 : i32
      %dma_start3A_541 = tpu.memref_slice %arg19[%dma_start3A_539, %dma_start3A_538, %dma_start3A_540] : memref<10000x9x128xf32, #tpu.memory_space<hbm>> -> memref<10000x1x128xf32, #tpu.memory_space<hbm>>
      %dma_start3A_542 = tpu.memref_squeeze %dma_start3A_541 : memref<10000x1x128xf32, #tpu.memory_space<hbm>> -> memref<10000x128xf32, #tpu.memory_space<hbm>>
      tpu.enqueue_dma source(%arg21 : memref<10000x128xf32, #tpu.memory_space<vmem>>) target(%dma_start3A_542 : memref<10000x128xf32, #tpu.memory_space<hbm>>) target_semaphore(%arg25 : memref<!tpu.dma_semaphore, #tpu.memory_space<semaphore_mem>>)
      %dma_wait3A_543 = arith.constant 8 : i32
      %dma_wait3A_544 = arith.constant 0 : i32
      %dma_wait3A_545 = arith.constant 0 : i32
      %dma_wait3A_546 = tpu.memref_slice %arg19[%dma_wait3A_544, %dma_wait3A_543, %dma_wait3A_545] : memref<10000x9x128xf32, #tpu.memory_space<hbm>> -> memref<10000x1x128xf32, #tpu.memory_space<hbm>>
      %dma_wait3A_547 = tpu.memref_squeeze %dma_wait3A_546 : memref<10000x1x128xf32, #tpu.memory_space<hbm>> -> memref<10000x128xf32, #tpu.memory_space<hbm>>
      tpu.wait_dma2 semaphore(%arg25 : memref<!tpu.dma_semaphore, #tpu.memory_space<semaphore_mem>>) src(%arg21 : memref<10000x128xf32, #tpu.memory_space<vmem>>) dst(%dma_wait3A_547 : memref<10000x128xf32, #tpu.memory_space<hbm>>)
    } else {
    }
    return
  }
  func.func @transform_0(%arg0: i32) -> (i32, i32) {
    %c0_i32 = arith.constant 0 : i32
    %c0_i32_0 = arith.constant 0 : i32
    return %arg0, %c0_i32 : i32, i32
  }
  func.func @transform_1(%arg0: i32) -> (i32, i32) {
    %c0_i32 = arith.constant 0 : i32
    %c0_i32_0 = arith.constant 0 : i32
    return %arg0, %c0_i32 : i32, i32
  }
  func.func @transform_2(%arg0: i32) -> (i32, i32) {
    %c0_i32 = arith.constant 0 : i32
    %c0_i32_0 = arith.constant 0 : i32
    return %arg0, %c0_i32 : i32, i32
  }
  func.func @transform_3(%arg0: i32) -> (i32, i32) {
    %c0_i32 = arith.constant 0 : i32
    %c0_i32_0 = arith.constant 0 : i32
    return %arg0, %c0_i32 : i32, i32
  }
  func.func @transform_4(%arg0: i32) -> (i32, i32) {
    %c0_i32 = arith.constant 0 : i32
    %c0_i32_0 = arith.constant 0 : i32
    return %arg0, %c0_i32 : i32, i32
  }
  func.func @transform_5(%arg0: i32) -> (i32, i32, i32) {
    %c0_i32 = arith.constant 0 : i32
    %c0_i32_0 = arith.constant 0 : i32
    %c0_i32_1 = arith.constant 0 : i32
    return %arg0, %c0_i32, %c0_i32_0 : i32, i32, i32
  }
  func.func @transform_6(%arg0: i32) -> (i32, i32) {
    %c0_i32 = arith.constant 0 : i32
    %c0_i32_0 = arith.constant 0 : i32
    %c0_i32_1 = arith.constant 0 : i32
    return %c0_i32, %c0_i32_0 : i32, i32
  }
  func.func @transform_7(%arg0: i32) -> (i32, i32) {
    %c0_i32 = arith.constant 0 : i32
    %c0_i32_0 = arith.constant 0 : i32
    %c0_i32_1 = arith.constant 0 : i32
    return %c0_i32, %c0_i32_0 : i32, i32
  }
  func.func @transform_8(%arg0: i32) -> (i32, i32) {
    %c0_i32 = arith.constant 0 : i32
    %c0_i32_0 = arith.constant 0 : i32
    %c0_i32_1 = arith.constant 0 : i32
    return %c0_i32, %c0_i32_0 : i32, i32
  }
  func.func @transform_9(%arg0: i32) -> (i32, i32) {
    %c0_i32 = arith.constant 0 : i32
    %c0_i32_0 = arith.constant 0 : i32
    %c0_i32_1 = arith.constant 0 : i32
    return %c0_i32, %c0_i32_0 : i32, i32
  }
  func.func @transform_10(%arg0: i32) -> (i32, i32) {
    %c0_i32 = arith.constant 0 : i32
    %c0_i32_0 = arith.constant 0 : i32
    %c0_i32_1 = arith.constant 0 : i32
    return %c0_i32, %c0_i32_0 : i32, i32
  }
  func.func @transform_11(%arg0: i32) -> (i32, i32) {
    %c0_i32 = arith.constant 0 : i32
    %c0_i32_0 = arith.constant 0 : i32
    %c0_i32_1 = arith.constant 0 : i32
    return %c0_i32, %c0_i32_0 : i32, i32
  }
  func.func @transform_12(%arg0: i32) -> (i32, i32) {
    %c0_i32 = arith.constant 0 : i32
    %c0_i32_0 = arith.constant 0 : i32
    %c0_i32_1 = arith.constant 0 : i32
    return %c0_i32, %c0_i32_0 : i32, i32
  }
  func.func @transform_13(%arg0: i32) -> (i32, i32) {
    %c0_i32 = arith.constant 0 : i32
    %c0_i32_0 = arith.constant 0 : i32
    %c0_i32_1 = arith.constant 0 : i32
    return %c0_i32, %c0_i32_0 : i32, i32
  }
  func.func @transform_14(%arg0: i32) -> (i32, i32) {
    %c0_i32 = arith.constant 0 : i32
    %c0_i32_0 = arith.constant 0 : i32
    %c0_i32_1 = arith.constant 0 : i32
    return %c0_i32, %c0_i32_0 : i32, i32
  }
  func.func @transform_15(%arg0: i32) -> (i32, i32) {
    %c0_i32 = arith.constant 0 : i32
    %c0_i32_0 = arith.constant 0 : i32
    %c0_i32_1 = arith.constant 0 : i32
    return %c0_i32, %c0_i32_0 : i32, i32
  }
  func.func @transform_16(%arg0: i32) -> (i32, i32) {
    %c0_i32 = arith.constant 0 : i32
    %c0_i32_0 = arith.constant 0 : i32
    %c0_i32_1 = arith.constant 0 : i32
    return %c0_i32, %c0_i32_0 : i32, i32
  }
  func.func @transform_17(%arg0: i32) -> (i32, i32) {
    %c0_i32 = arith.constant 0 : i32
    %c0_i32_0 = arith.constant 0 : i32
    %c0_i32_1 = arith.constant 0 : i32
    return %c0_i32, %c0_i32_0 : i32, i32
  }
}

</mosaic_0001>

<sc_bundles>
// kernel: kernel.4.cloned.1.call-start
scs
__scs_entry_jumppad:
0x0: {  	(pc) =	sbr.rel $0x88, $3  }
0x1: {  	(tag) =	ssettag $0x0;
	lr =	simm.s32 $0x1  }
0x2: {  	[smem:$0x3F90] =	sst lr;
	_ =	strace $0xD0000000  }
0x3: {  	_ = 	snop  }
0x4: {  	_ = 	snop  }
0x5: {  	_ = 	snop  }
0x6: {  	_ = 	snop  }
0x7: {  	_ = 	snop  }
__scs_overlays_trampoline_lowered:
0x8: {  	[smem:$0x3F9F] =	sst s0  }
0x9: {  	[smem:$0x3FA0] =	sst s1  }
0xa: {  	[smem:$0x3FA1] =	sst s2  }
0xb: {  	[smem:$0x3FA2] =	sst s3  }
0xc: {  	[smem:$0x3FA3] =	sst s4  }
0xd: {  	[smem:$0x3FA4] =	sst s5  }
0xe: {  	[smem:$0x3FA5] =	sst s6  }
0xf: {  	[smem:$0x3FA6] =	sst s7  }
0x10: {  	[smem:$0x3FA7] =	sst s8  }
0x11: {  	[smem:$0x3FA8] =	sst s9;
	s0 =	simm.s32 @!p0 $0x0  }
0x12: {  	s1 =	sld [smem:$0x3F8E];
	s0 =	simm.s32 @p0 $0x1  }
0x13: {  	[smem:$0x3FA9] =	sst s0;
	s0 =	simm.s32 @!p1 $0x0  }
0x14: {  	s2 =	sld [smem:$0x3F8D];
	s0 =	simm.s32 @p1 $0x1  }
0x15: {  	[smem:$0x3FAA] =	sst s0;
	s0 =	simm.s32 @!p2 $0x0  }
0x16: {  	s3 =	sld [smem:$0x3FDB];
	s0 =	simm.s32 @p2 $0x1  }
0x17: {  	s4 =	simm.s32 $0x1BF5;
	[smem:$0x3FAC] =	sst s0  }
0x18: {  	s0 =	sld [smem:$0x3F8F];
	_ =	swait.ge [sflag:s4], $0x0  }
0x19: {  	s7 =	sld [smem:$0x3F90]  }
0x1a: {  	s8 =	sadd.s32 $0xFFFFE003, lr  }
0x1b: {  	s9 =	sadd.s32 $0xFFFFFEF7, lr;
	s5 =	simm.s32 $0xFFFFFFFF;
	p2 =	slt.u32 s8, $0xFFFFF086  }
0x1c: {  	p1 =	slt.u32 s9, $0xF7A;
	s5 =	simm.s32 @!p2 $0x0  }
0x1d: {  	s5 =	simm.s32 @p1 $0x1;
	p0 =	seq.s32 s7, s2  }
0x1e: {  	s7 =	smul.u32 @!p0 $0xF7A, s2;
	p2 =	seq.s32 @!p0 s5, $0x0  }
0x1f: {  	s9 =	smul.u32 $0xF7A, s1;
	s8 =	simm.s32 @!p0 $0x1BF5;
	p2 =	por !p2, p0  }
0x20: {  	[sflag:s8] =	ssyncset.s32 @!p0 $0xFFFFF086;
	s6 =	sadd.s32 @!p0 s3, s7;
	s7 =	simm.s32 @!p0 $0x108  }
0x21: {  	s3 =	sadd.s32 s3, s9;
	s6 =	sadd.s32 @!p0 $0x88, s6;
	s7 =	simm.s32 @p2 $0x1082  }
0x22: {  	[simem:s7], [sflag:s8] =	dma.local @!p0 [hbm:s6], $0xF7A  }
0x23: {  	s9 =	sor.u32 $0xD0000000, s2;
	s6 =	simm.s32 $0x108;
	_ =	swait.ge @!p0 [sflag:s8], $0x0  }
0x24: {  	s3 =	sadd.s32 $0x88, s3;
	s6 =	simm.s32 @!p1 $0x1082;
	[sflag:s4] =	ssyncset.s32 $0xFFFFF086  }
0x25: {  	[simem:s6], [sflag:s4] =	dma.local [hbm:s3], $0xF7A  }
0x26: {  	[smem:$0x3F90] =	sst s1;
	(tag) =	ssettag s2;
	_ =	strace s9  }
0x27: {  	s1 =	sld [smem:$0x3FA0]  }
0x28: {  	s2 =	sld [smem:$0x3FA1]  }
0x29: {  	s4 =	sld [smem:$0x3FA3]  }
0x2a: {  	p0 =	seq.s32 s5, $0x0;
	s5 =	sld [smem:$0x3FA4]  }
0x2b: {  	s6 =	sld [smem:$0x3FA5]  }
0x2c: {  	s7 =	sld [smem:$0x3FA6]  }
0x2d: {  	s3 =	simm.s32 $0x108;
	s8 =	sld [smem:$0x3FA7]  }
0x2e: {  	s3 =	simm.s32 @!p0 $0x1082;
	s9 =	sld [smem:$0x3FA8]  }
0x2f: {  	lr =	sadd.s32 s0, s3;
	s0 =	sld [smem:$0x3F9F]  }
0x30: {  	s3 =	sld [smem:$0x3FA2]  }
0x31: {  	[smem:$0x3FAB] =	sst s10  }
0x32: {  	s10 =	sld [smem:$0x3FA9];
	_ =	sdelay $0x3  }
0x33: {  	p0 =	seq.s32 s10, $0x1;
	s10 =	sld [smem:$0x3FAB];
	_ =	sdelay $0x3  }
0x34: {  	[smem:$0x3FAB] =	sst s10  }
0x35: {  	s10 =	sld [smem:$0x3FAA];
	_ =	sdelay $0x3  }
0x36: {  	p1 =	seq.s32 s10, $0x1;
	s10 =	sld [smem:$0x3FAB];
	_ =	sdelay $0x3  }
0x37: {  	[smem:$0x3FAB] =	sst s10  }
0x38: {  	s10 =	sld [smem:$0x3FAC]  }
0x39: {  	_ = 	snop;
	(pc) =	sbr.ind lr, $3  }
0x3a: {  	_ = 	snop  }
0x3b: {  	_ = 	snop  }
0x3c: {  	p2 =	seq.s32 s10, $0x1;
	s10 =	sld [smem:$0x3FAB]  }
0x3d: {  	_ =	shalt  }
0x3e: {  	_ =	shalt  }
0x3f: {  	_ =	shalt  }
0x40: {  	_ =	shalt  }
0x41: {  	_ =	shalt  }
0x42: {  	_ =	shalt  }
0x43: {  	_ =	shalt  }
0x44: {  	_ =	shalt  }
0x45: {  	_ =	shalt  }
0x46: {  	_ =	shalt  }
0x47: {  	_ =	shalt  }
0x48: {  	_ =	shalt  }
0x49: {  	_ =	shalt  }
0x4a: {  	_ =	shalt  }
0x4b: {  	_ =	shalt  }
0x4c: {  	_ =	shalt  }
0x4d: {  	_ =	shalt  }
0x4e: {  	_ =	shalt  }
0x4f: {  	_ =	shalt  }
0x50: {  	_ =	shalt  }
0x51: {  	_ =	shalt  }
0x52: {  	_ =	shalt  }
0x53: {  	_ =	shalt  }
0x54: {  	_ =	shalt  }
0x55: {  	_ =	shalt  }
0x56: {  	_ =	shalt  }
0x57: {  	_ =	shalt  }
0x58: {  	_ =	shalt  }
0x59: {  	_ =	shalt  }
0x5a: {  	_ =	shalt  }
0x5b: {  	_ =	shalt  }
0x5c: {  	_ =	shalt  }
0x5d: {  	_ =	shalt  }
0x5e: {  	_ =	shalt  }
0x5f: {  	_ =	shalt  }
0x60: {  	_ =	shalt  }
0x61: {  	_ =	shalt  }
0x62: {  	_ =	shalt  }
0x63: {  	_ =	shalt  }
0x64: {  	_ =	shalt  }
0x65: {  	_ =	shalt  }
0x66: {  	_ =	shalt  }
0x67: {  	_ =	shalt  }
0x68: {  	_ =	shalt  }
0x69: {  	_ =	shalt  }
0x6a: {  	_ =	shalt  }
0x6b: {  	_ =	shalt  }
0x6c: {  	_ =	shalt  }
0x6d: {  	_ =	shalt  }
0x6e: {  	_ =	shalt  }
0x6f: {  	_ =	shalt  }
0x70: {  	_ =	shalt  }
0x71: {  	_ =	shalt  }
0x72: {  	_ =	shalt  }
0x73: {  	_ =	shalt  }
0x74: {  	_ =	shalt  }
0x75: {  	_ =	shalt  }
0x76: {  	_ =	shalt  }
0x77: {  	_ =	shalt  }
0x78: {  	_ =	shalt  }
0x79: {  	_ =	shalt  }
0x7a: {  	_ =	shalt  }
0x7b: {  	_ =	shalt  }
0x7c: {  	_ =	shalt  }
0x7d: {  	_ =	shalt  }
0x7e: {  	_ =	shalt  }
0x7f: {  	_ =	shalt  }
0x80: {  	_ =	shalt  }
0x81: {  	_ =	shalt  }
0x82: {  	_ =	shalt  }
0x83: {  	_ =	shalt  }
0x84: {  	_ =	shalt  }
0x85: {  	_ =	shalt  }
0x86: {  	_ =	shalt  }
0x87: {  	_ =	shalt  }
.Lfunc_end0:
.L_simem_size_0:
called_computation_lowered:
.L_overlay_start_0:
0x88: {  	s2 =	sld [smem:$0x3FD9]  }
0x89: {  	s3 =	sld [smem:$0x3FFE];
	_ =	sdelay $0x1  }
0x8a: {  	s1 =	srdreg.scid  }
0x8b: {  	s0 =	sand.u32 $0x1, s1  }
0x8c: {  	s17 =	sshll.u32 s0, $0xA;
	s2 =	sadd.s32 s3, s2  }
0x8d: {  	s2 =	sadd.s32 s2, s17  }
0x8e: {  	[smem:$0x3FB7] =	sst s2  }
0x8f: {  	_ = 	snop  }
0x90: {  	s2 =	sld [smem:$0x3FC8]  }
0x91: {  	s18 =	sld [smem:$0x3FD0];
	(tm) =	ssettm $0x1  }
0x92: {  	s4 =	sld [smem:$0x3FFB];
	_ =	sdelay $0x3  }
0x93: {  	_ =	strace s4  }
0x94: {  	s4 =	sld [smem:$0x3FFC];
	_ =	sdelay $0x3  }
0x95: {  	_ =	strace s4  }
0x96: {  	s4 =	sld [smem:$0x3FFD];
	_ =	sdelay $0x3  }
0x97: {  	_ =	strace s4  }
0x98: {  	_ =	strace $0x8FFFFFFF  }
0x99: {  	s19 =	sld [smem:$0x3FDB];
	_ =	sdelay $0x1  }
0x9a: {  	s5 =	simm.s32 $_scs_section_size  }
0x9b: {  	s6 =	simm.s32 $_size__tile_overlayer_lowered;
	s7 =	simm.s32 $_tile_overlayer_lowered  }
0x9c: {  	s22 =	simm.s32 $0x1BFF;
	s21 =	sshll.u32 s7, $0x1;
	s4 =	sadd.s32 s5, s19  }
0x9d: {  	s8 =	simm.s32 $0x0;
	s20 =	sshll.u32 s6, $0x1;
	s6 =	sadd.s32 s21, s4  }
0x9e: {  	[timem:s8], [sflag:s22] =	dma.local [hbm:s6], s20  }
0x9f: {  	_ =	swait.ge [sflag:s22], s20  }
0xa0: {  	s5 =	ssub.s32 $0x0, s20;
	[sflag:s22] =	ssyncset.done $0x0  }
0xa1: {  	[sflag:s22] =	ssyncadd.s32 s5;
	_ =	sdelay $0x1  }
0xa2: {  	s23 =	simm.s32 $0x1B8B  }
0xa3: {  	_ =	swait.ge [sflag:s23], $0x1  }
0xa4: {  	[sflag:s23] =	ssyncset.done $0x0  }
0xa5: {  	s25 =	simm.s32 $0x1B8E;
	s24 =	sld [smem:$0x3FFE];
	[sflag:s23] =	ssyncadd.s32 $0xFFFFFFFF  }
0xa6: {  	s26 =	simm.s32 $execute0_lowered;
	[smem:$0x3FD2] =	sst s25  }
0xa7: {  	s6 =	sshll.u32 s26, $0x1;
	_ =	strace $0x80000046;
	[dreg:$0x1] =	wrdreg $0xFFFFFFFF  }
0xa8: {  	s28 =	simm.s32 $_size_execute0_lowered;
	s4 =	sadd.s32 s4, s6;
	[dreg:$0x0] =	wrdreg $0x0  }
0xa9: {  	s6 =	sshll.u32 s28, $0x1;
	[dreg:$0x2] =	wrdreg s4  }
0xaa: {  	[dreg:$0x3] =	wrdreg s6  }
0xab: {  	[dreg:$0x4] =	wrdreg $0xC0  }
0xac: {  	_ =	task [dreg:s8], $0x5FFFF  }
0xad: {  	[dreg:$0x1] =	wrdreg $0xFFFFFFFF  }
0xae: {  	[dreg:$0x0] =	wrdreg $0x60  }
0xaf: {  	[dreg:$0x2] =	wrdreg s2  }
0xb0: {  	[dreg:$0x3] =	wrdreg s18  }
0xb1: {  	[dreg:$0x4] =	wrdreg s24  }
0xb2: {  	[dreg:$0x5] =	wrdreg $0x9  }
0xb3: {  	_ =	task.clear_ibuf [dreg:s8], $0x6FFFF;
	_ =	strace $0x90000046  }
0xb4: {  	s29 =	simm.s32 $0x9;
	_ =	strace $0x80000048  }
0xb5: {  	_ =	swait.ge [sflag:s29], $0x1  }
0xb6: {  	[sflag:s29] =	ssyncadd.s32 $0xFFFFFFFF  }
0xb7: {  	_ =	strace $0x90000048  }
0xb8: {  	_ =	sfence  }
0xb9: {  	s30 =	sld [smem:$0x0];
	_ =	sdelay $0x2  }
0xba: {  	s31 =	sshll.u32 s1, $0xD;
	s1 =	sshrl.u32 s1, $0x2  }
0xbb: {  	s3 =	sand.u32 $0x4000, s31;
	s1 =	sadd.s32 s1, s30  }
0xbc: {  	s0 =	sor.u32 s3, s0;
	s1 =	sshll.u32 s1, $0x11  }
0xbd: {  	s0 =	sor.u32 s1, s0  }
0xbe: {  	s0 =	sadd.s32 $0x8F2B, s0  }
0xbf: {  	[sflag:s0] =	ssyncadd.remote.s32 $0x1  }
0xc0: {  	_ =	sfence.sel $0xFFFF  }
0xc1: {  	[dreg:$0x0] =	wrdreg $0xFFFFFFFF;
	(pc) =	sbr.abs _section_cstart, $3  }
0xc2: {  	[dreg:$0x1] =	wrdreg $0xFFFFFFFF  }
0xc3: {  	_ =	task.clear_ibuf [dreg:s8], $0x2FFFF;
	_ =	strace $0x9FFFFFFF  }
0xc4: {  	(tm) =	ssettm $0x7FFFFFFF  }
0xc5: {  	_ =	shalt  }
tec
execute0_lowered:
.L_overlay_start_1:
0x0: {  	(tag) =	ssettag $0x1  }
0x1: {  	s1 =	rddreg [dreg:$0x0];
	s2 =	srdreg.scid  }
0x2: {  	s0 =	stileid.u32;
	s4 =	rddreg [dreg:$0x1]  }
0x3: {  	s6 =	rddreg [dreg:$0x2];
	s3 =	simm.s32 $0x0;
	s9 =	simm.s32 $0x2800  }
0x4: {  	s10 =	simm.s32 $0x2880;
	s11 =	simm.s32 $0x100;
	s12 =	simm.s32 $0x2900  }
0x5: {  	s13 =	simm.s32 $0x1;
	s5 =	sand.u32 $0x1, s2;
	s31 =	sshll.u32 s0, $0x1  }
0x6: {  	s14 =	simm.s32 $0x0;
	s7 =	sor.u32 s5, s31;
	s5 =	ssub.s32 $0x2, s5  }
0x7: {  	[smem:$0x7FF] =	sst s3;
	s7 =	smul.u32 $0x500, s7;
	s8 =	sshrl.u32 s5, $0x1  }
0x8: {  	s2 =	rddreg [dreg:$0x3];
	_ =	strace $0x80000047;
	s8 =	ssub.s32 s5, s8  }
0x9: {  	s6 =	sadd.s32 s7, s6;
	s4 =	sadd.s32 s4, s7;
	s7 =	simm.s32 $0x2  }
0xa: {  	s5 =	sadd.s32 $0x200, s6;
	s6 =	smax.u32 s8, $0x1;
	s8 =	simm.s32 $0x80  }
.LBB2_1:
0xb: {  	[tilespmem:s3], [sflag:$0x2] =	stream.linear.gather [hbm4b:s4+s3], $0x2780, $0x38;
	[tilespmem:$0x5000] =	vst v63  }
0xc: {  	_ =	swait.ge [sflag:s7], $0x2780  }
0xd: {  	[sflag:s7] =	ssyncset.done $0x0  }
0xe: {  	[sflag:s7] =	ssyncadd.s32 $0xFFFFD880  }
0xf: {  	[tilespmem:s9], [sflag:$0x1] =	stream.indirect.gather [hbm4b:s1+s8], $0x1, s3, s8, $0xb8;
	[tilespmem:$0x5000] =	vst v63  }
0x10: {  	_ = 	snop  }
0x11: {  	[tilespmem:s10], [sflag:$0x1] =	stream.indirect.gather [hbm4b:s1+s8], $0x1, s8, s8, $0xb8;
	[tilespmem:$0x5000] =	vst v63  }
0x12: {  	p0 =	por $0x0, $0x0  }
0x13: {  	[tilespmem:s12], [sflag:$0x1] =	stream.indirect.gather [hbm4b:s1+s8], $0x1, s11, s8, $0xb8;
	[tilespmem:$0x5000] =	vst v63  }
0x14: {  	s15 =	simm.s32 $0x180;
	s16 =	simm.s32 $0x2980;
	s17 =	simm.s32 @!p0 $0x80  }
0x15: {  	[tilespmem:s16], [sflag:$0x1] =	stream.indirect.gather @!p0 [hbm4b:s1+s17], $0x1, s15, s17, $0xb8;
	[tilespmem:$0x5000] =	vst v63  }
0x16: {  	_ =	swait.ge [sflag:s13], $0x80  }
0x17: {  	s16 =	simm.s32 $0x1;
	s17 =	simm.s32 $0x2A00;
	[sflag:s13] =	ssyncset.done $0x0  }
.LBB2_2:
0x18: {  	s18 =	smov.u32 s16;
	s16 =	sadd.s32 $0x1, s16  }
0x19: {  	[sflag:s13] =	ssyncadd.s32 $0xFFFFFF80;
	s15 =	sadd.s32 $0x80, s15;
	p1 =	sne.s32 s16, $0x4F  }
.Ltmp0:
0x1a: {  	p0 =	sgt.u32 s18, $0x4B;
	(pc) =	sbr.rel @p1 .LBB2_2-.Ltmp0, $4  }
0x1b: {  	s18 =	simm.s32 @!p0 $0x80  }
0x1c: {  	[tilespmem:s17], [sflag:$0x1] =	stream.indirect.gather @!p0 [hbm4b:s1+s18], $0x1, s15, s18, $0xb8;
	[tilespmem:$0x5000] =	vst v63  }
0x1d: {  	_ =	swait.ge [sflag:s13], $0x80  }
0x1e: {  	s17 =	sadd.s32 $0x80, s17;
	[sflag:s13] =	ssyncset.done $0x0  }
0x1f: {  	s14 =	sadd.s32 $0x1, s14  }
0x20: {  	p0 =	sne.s32 s14, s6  }
.Ltmp1:
0x21: {  	[sflag:s13] =	ssyncadd.s32 $0xFFFFFF80;
	(pc) =	sbr.rel @p0 .LBB2_1-.Ltmp1, $4  }
0x22: {  	[hbm4b:s5+s3] =	stream.linear.scatter [tilespmem:s9], [sflag:$0x2], $0x2780, $0x38;
	[tilespmem:$0x5000] =	vst v63  }
0x23: {  	_ =	swait.ge [sflag:s7], $0x2780  }
0x24: {  	[sflag:s7] =	ssyncset.done $0x0  }
0x25: {  	[sflag:s7] =	ssyncadd.s32 $0xFFFFD880  }
0x26: {  	_ =	sfence.sel $0x180000  }
0x27: {  	[bflag:$0x0] =	sbarrier.arrive $0xFFFF  }
0x28: {  	p0 =	sne.s32 s0, $0x0;
	_ =	strace $0x90000047  }
0x29: {  	s0 =	sadd.s32 @!p0 $0x100000, s2;
	[bflag:$0x2] =	sbarrier.arrive $0xFFFF  }
0x2a: {  	[sflag:s0] =	ssyncadd.tile.s32 @!p0 $0x1;
	_ =	shalt  }
.Lfunc_end2:
_tile_overlayer_lowered:
.L_overlay_start_2:
0x2b: {  	(tag) =	ssettag $0x2  }
0x2c: {  	s0 =	rddreg [dreg:$0x0];
	s2 =	stileid.u32  }
0x2d: {  	s1 =	rddreg [dreg:$0x1];
	p0 =	sne.s32 s2, $0x0  }
0x2e: {  	s3 =	rddreg [dreg:$0x2];
	[bflag:$0x3] =	sbarrier.arrive $0xFFFF;
	s2 =	simm.s32 @!p0 $0x1C02  }
0x2f: {  	[timem:s3], [sflag:s2] =	dma.local @!p0 [hbm:s0], s1  }
0x30: {  	s0 =	simm.s32 @!p0 $0x2  }
0x31: {  	_ =	swait.ge @!p0 [sflag:s0], s1  }
0x32: {  	s1 =	ssub.s32 @!p0 $0x0, s1;
	[sflag:s0] =	ssyncset.done @!p0 $0x0  }
0x33: {  	[sflag:s0] =	ssyncadd.s32 @!p0 s1  }
0x34: {  	[bflag:$0x3] =	sbarrier.arrive $0xFFFF  }
0x35: {  	_ =	shalt  }

</sc_bundles>
